<compile_context>
chip_gen: v7x
topology: tpu7x:2x2x1
jax: 0.10.2.dev20260603
libtpu: 0.0.44.dev20260713+nightly
codegen_flags: <defaults>
</compile_context>

<pallas_src>
import functools

import jax
import jax.numpy as jnp
from jax import lax
from jax.experimental import pallas as pl
from jax.experimental.pallas import tpu as pltpu
from jax.experimental.pallas import tpu_sc as plsc

N_GRAPH = 1024
N_NODE = 200
HIDDEN = 128

NC = 2
NS = 16
NW = NC * NS

B = N_GRAPH * N_NODE
GRP = 64
N_GROUPS = B // GRP
GROUPS_PER_W = N_GROUPS // NW
K = 13
LEAD = 4


def _feature_kernel(x_idx, a_idx, t_idx, type_tab, attr_tab, tgt_tab, out,
                    xv, av, tv, bufs, tgt_sp, semt, sema, semg, semo):
    wid = lax.axis_index("s") * NC + lax.axis_index("c")
    sid = lax.axis_index("s")
    g0 = wid * GROUPS_PER_W
    @pl.when(sid == 0)
    def _():
        pltpu.async_copy(tgt_tab, tgt_sp, semg)

    ix = pltpu.async_copy(x_idx.at[wid], xv, semt)
    ia = pltpu.async_copy(a_idx.at[wid], av, semt)
    it = pltpu.async_copy(t_idx.at[wid], tv, semt)
    ix.wait(); ia.wait(); it.wait()

    G = GROUPS_PER_W

    @pl.loop(0, G + 3 * LEAD)
    def _(i):
        @pl.when(i >= 3 * LEAD)
        def _():
            g = i - 3 * LEAD
            pltpu.make_async_copy(type_tab.at[pl.ds(0, GRP)], bufs.at[0],
                                  semg).wait()
            pltpu.async_copy(bufs.at[lax.rem(g, K)],
                             out.at[pl.ds((g0 + g) * GRP, GRP)], semo)

        @pl.when(i == 2 * LEAD)
        def _():
            @pl.when(sid == 0)
            def _():
                pltpu.make_async_copy(tgt_tab, tgt_sp, semg).wait()
            plsc.subcore_barrier()

        @pl.when((i >= 2 * LEAD) & (i < G + 2 * LEAD))
        def _():
            g = i - 2 * LEAD
            pltpu.make_async_copy(type_tab.at[pl.ds(0, GRP)], bufs.at[0],
                                  sema).wait()
            pltpu.async_copy(tgt_sp.at[tv.at[pl.ds(g * GRP, GRP)]], bufs.at[lax.rem(g, K)],
                             semg, add=True)

        @pl.when((i >= LEAD) & (i < G + LEAD))
        def _():
            g = i - LEAD
            pltpu.make_async_copy(type_tab.at[pl.ds(0, GRP)], bufs.at[0],
                                  semt).wait()
            pltpu.async_copy(attr_tab.at[av.at[pl.ds(g * GRP, GRP)]], bufs.at[lax.rem(g, K)],
                             sema, add=True)

        @pl.when(i < G)
        def _():
            @pl.when(i >= K)
            def _():
                pltpu.make_async_copy(bufs.at[0], out.at[pl.ds(0, GRP)],
                                      semo).wait()
            pltpu.async_copy(type_tab.at[xv.at[pl.ds(i * GRP, GRP)]], bufs.at[lax.rem(i, K)],
                             semt)

    for _i in range(K):
        pltpu.make_async_copy(bufs.at[0], out.at[pl.ds(0, GRP)], semo).wait()


@jax.jit
def _run(x_idx, a_idx, t_idx, type_tab, attr_tab, tgt_tab):
    mesh = plsc.VectorSubcoreMesh(core_axis_name="c", subcore_axis_name="s")
    return pl.kernel(
        _feature_kernel,
        out_type=jax.ShapeDtypeStruct((B, HIDDEN), jnp.float32),
        mesh=mesh,
        scratch_types=[
            pltpu.VMEM((GROUPS_PER_W * GRP,), jnp.int32),
            pltpu.VMEM((GROUPS_PER_W * GRP,), jnp.int32),
            pltpu.VMEM((GROUPS_PER_W * GRP,), jnp.int32),
            pltpu.VMEM((K, GRP, HIDDEN), jnp.float32),
            pltpu.VMEM_SHARED((2 * TGT_REP, HIDDEN), jnp.float32),
            pltpu.SemaphoreType.DMA,
            pltpu.SemaphoreType.DMA,
            pltpu.SemaphoreType.DMA,
            pltpu.SemaphoreType.DMA,
        ],
    )(x_idx, a_idx, t_idx, type_tab, attr_tab, tgt_tab)


TGT_REP = 256


def kernel(x, node_attr, target_attr, in_degree, out_degree,
           node_type_table, node_attr_table, target_table):
    del in_degree, out_degree
    x_idx = x.reshape(NW, GROUPS_PER_W * GRP).astype(jnp.int32)
    a_idx = node_attr.reshape(NW, GROUPS_PER_W * GRP).astype(jnp.int32)
    tgt_big = jnp.tile(target_table, (TGT_REP, 1))
    spread = (jnp.arange(B, dtype=jnp.int32) % TGT_REP) * 2
    t_idx = (target_attr.reshape(B).astype(jnp.int32) + spread
             ).reshape(NW, GROUPS_PER_W * GRP)
    out = _run(x_idx, a_idx, t_idx, node_type_table, node_attr_table,
               tgt_big)
    return out.reshape(N_GRAPH, N_NODE, HIDDEN)

# --- scband reference (transcript-rebuilt; emitter-appended) ---
"""Pipeline reference for scband-graph-node-feature-90005334655212 (READ-ONLY COPY).

The authoritative reference and input builder live on the scoring server;
editing this copy changes nothing except your own understanding.
"""

import jax, jax.numpy as jnp
import numpy as np

N_GRAPH = 1024
N_NODE = 200
NUM_NODE_TYPE = 100000
NUM_NODE_ATTR = 100000
HIDDEN_DIM = 128
NUM_DEGREE = 512


def setup_inputs(seed: int = 0) -> dict:
    key = jax.random.key(seed)
    ks = jax.random.split(key, 8)
    x = jax.random.randint(ks[0], (N_GRAPH, N_NODE), 0, NUM_NODE_TYPE, dtype=jnp.int32).astype(jnp.int64) if False else jax.random.randint(ks[0], (N_GRAPH, N_NODE), 0, NUM_NODE_TYPE)
    node_attr = jax.random.randint(ks[1], (N_GRAPH, N_NODE), 0, NUM_NODE_ATTR)
    target_attr = jax.random.randint(ks[2], (N_GRAPH, N_NODE), 0, 2)
    in_degree = jax.random.randint(ks[3], (N_GRAPH, N_NODE), 0, NUM_DEGREE)
    out_degree = jax.random.randint(ks[4], (N_GRAPH, N_NODE), 0, NUM_DEGREE)
    std = 0.02
    node_type_table = jax.random.normal(ks[5], (NUM_NODE_TYPE, HIDDEN_DIM), dtype=jnp.float32) * std
    node_attr_table = jax.random.normal(ks[6], (NUM_NODE_ATTR, HIDDEN_DIM), dtype=jnp.float32) * std
    target_table = jax.random.normal(ks[7], (2, HIDDEN_DIM), dtype=jnp.float32) * std
    return {
        "x": x,
        "node_attr": node_attr,
        "target_attr": target_attr,
        "in_degree": in_degree,
        "out_degree": out_degree,
        "node_type_table": node_type_table,
        "node_attr_table": node_attr_table,
        "target_table": target_table,
    }


def reference(x, node_attr, target_attr, in_degree, out_degree,
              node_type_table, node_attr_table, target_table):
    # node_feature = node_type_encoder(x) + node_attr_encoder(node_attr) + target_encoder(target_attr)
    # in_degree / out_degree are accepted by the original forward but unused in the returned feature.
    node_feature = jnp.take(node_type_table, x, axis=0)
    node_feature = node_feature + jnp.take(node_attr_table, node_attr, axis=0)
    node_feature = node_feature + jnp.take(target_table, target_attr, axis=0)
    return node_feature

if __name__ == "__main__":
    import jax
    _d = setup_inputs()
    print(jax.jit(kernel)(*tuple(_d.values())))

</pallas_src>

<mosaic_0001>
#map = affine_map<(d0, d1) -> (0, 0)>
module attributes {stable_mosaic.version = 14 : i64} {
  func.func @_feature_kernel(%arg0: i32, %arg1: i32, %arg2: memref<32x6400xi32, #tpu.memory_space<hbm>>, %arg3: memref<32x6400xi32, #tpu.memory_space<hbm>>, %arg4: memref<32x6400xi32, #tpu.memory_space<hbm>>, %arg5: memref<100000x128xf32, #tpu.memory_space<hbm>>, %arg6: memref<100000x128xf32, #tpu.memory_space<hbm>>, %arg7: memref<512x128xf32, #tpu.memory_space<hbm>>, %arg8: memref<204800x128xf32, #tpu.memory_space<hbm>>, %arg9: memref<6400xi32, #tpu.memory_space<vmem>>, %arg10: memref<6400xi32, #tpu.memory_space<vmem>>, %arg11: memref<6400xi32, #tpu.memory_space<vmem>>, %arg12: memref<13x64x128xf32, #tpu.memory_space<vmem>>, %arg13: memref<512x128xf32, #tpu.memory_space<vmem_shared>>, %arg14: memref<!tpu.dma_semaphore, #tpu.memory_space<semaphore_mem>>, %arg15: memref<!tpu.dma_semaphore, #tpu.memory_space<semaphore_mem>>, %arg16: memref<!tpu.dma_semaphore, #tpu.memory_space<semaphore_mem>>, %arg17: memref<!tpu.dma_semaphore, #tpu.memory_space<semaphore_mem>>) attributes {dimension_semantics = [#tpu.dimension_semantics<core_parallel>, #tpu.dimension_semantics<subcore_parallel>], iteration_bounds = array<i64: 2, 16>, scalar_prefetch = 0 : i64, scratch_operands = 9 : i64, tpu.core_type = #tpu.core_type<sc_vector_subcore>, window_params = [{transform_indices = #map}, {transform_indices = #map}, {transform_indices = #map}, {transform_indices = #map}, {transform_indices = #map}, {transform_indices = #map}, {transform_indices = #map}]} {
    %mul3A = arith.constant 2 : i32
    %mul3A_0 = arith.muli %arg1, %mul3A : i32
    %add3A = arith.addi %mul3A_0, %arg0 : i32
    %mul3A_1 = arith.constant 100 : i32
    %mul3A_2 = arith.muli %add3A, %mul3A_1 : i32
    %eq3A = arith.constant 0 : i32
    %eq3A_3 = arith.cmpi eq, %arg1, %eq3A : i32
    %convert_element_type3A = arith.extui %eq3A_3 : i1 to i32
    %cond3A = arith.constant 0 : i32
    %cond3A_4 = arith.cmpi ne, %convert_element_type3A, %cond3A : i32
    scf.if %cond3A_4 {
      tpu.enqueue_dma source(%arg7 : memref<512x128xf32, #tpu.memory_space<hbm>>) target(%arg13 : memref<512x128xf32, #tpu.memory_space<vmem_shared>>) target_semaphore(%arg16 : memref<!tpu.dma_semaphore, #tpu.memory_space<semaphore_mem>>)
    } else {
    }
    %dma_start3A = arith.constant 0 : i32
    %dma_start3A_5 = tpu.memref_slice %arg2[%add3A, %dma_start3A] : memref<32x6400xi32, #tpu.memory_space<hbm>> -> memref<1x6400xi32, #tpu.memory_space<hbm>>
    %dma_start3A_6 = tpu.memref_squeeze %dma_start3A_5 : memref<1x6400xi32, #tpu.memory_space<hbm>> -> memref<6400xi32, #tpu.memory_space<hbm>>
    %dma_start3A_7 = arith.constant 0 : i32
    %dma_start3A_8 = tpu.memref_slice %arg2[%add3A, %dma_start3A_7] : memref<32x6400xi32, #tpu.memory_space<hbm>> -> memref<1x6400xi32, #tpu.memory_space<hbm>>
    %dma_start3A_9 = tpu.memref_squeeze %dma_start3A_8 : memref<1x6400xi32, #tpu.memory_space<hbm>> -> memref<6400xi32, #tpu.memory_space<hbm>>
    tpu.enqueue_dma source(%dma_start3A_9 : memref<6400xi32, #tpu.memory_space<hbm>>) target(%arg9 : memref<6400xi32, #tpu.memory_space<vmem>>) target_semaphore(%arg14 : memref<!tpu.dma_semaphore, #tpu.memory_space<semaphore_mem>>)
    %dma_start3A_10 = arith.constant 0 : i32
    %dma_start3A_11 = tpu.memref_slice %arg3[%add3A, %dma_start3A_10] : memref<32x6400xi32, #tpu.memory_space<hbm>> -> memref<1x6400xi32, #tpu.memory_space<hbm>>
    %dma_start3A_12 = tpu.memref_squeeze %dma_start3A_11 : memref<1x6400xi32, #tpu.memory_space<hbm>> -> memref<6400xi32, #tpu.memory_space<hbm>>
    %dma_start3A_13 = arith.constant 0 : i32
    %dma_start3A_14 = tpu.memref_slice %arg3[%add3A, %dma_start3A_13] : memref<32x6400xi32, #tpu.memory_space<hbm>> -> memref<1x6400xi32, #tpu.memory_space<hbm>>
    %dma_start3A_15 = tpu.memref_squeeze %dma_start3A_14 : memref<1x6400xi32, #tpu.memory_space<hbm>> -> memref<6400xi32, #tpu.memory_space<hbm>>
    tpu.enqueue_dma source(%dma_start3A_15 : memref<6400xi32, #tpu.memory_space<hbm>>) target(%arg10 : memref<6400xi32, #tpu.memory_space<vmem>>) target_semaphore(%arg14 : memref<!tpu.dma_semaphore, #tpu.memory_space<semaphore_mem>>)
    %dma_start3A_16 = arith.constant 0 : i32
    %dma_start3A_17 = tpu.memref_slice %arg4[%add3A, %dma_start3A_16] : memref<32x6400xi32, #tpu.memory_space<hbm>> -> memref<1x6400xi32, #tpu.memory_space<hbm>>
    %dma_start3A_18 = tpu.memref_squeeze %dma_start3A_17 : memref<1x6400xi32, #tpu.memory_space<hbm>> -> memref<6400xi32, #tpu.memory_space<hbm>>
    %dma_start3A_19 = arith.constant 0 : i32
    %dma_start3A_20 = tpu.memref_slice %arg4[%add3A, %dma_start3A_19] : memref<32x6400xi32, #tpu.memory_space<hbm>> -> memref<1x6400xi32, #tpu.memory_space<hbm>>
    %dma_start3A_21 = tpu.memref_squeeze %dma_start3A_20 : memref<1x6400xi32, #tpu.memory_space<hbm>> -> memref<6400xi32, #tpu.memory_space<hbm>>
    tpu.enqueue_dma source(%dma_start3A_21 : memref<6400xi32, #tpu.memory_space<hbm>>) target(%arg11 : memref<6400xi32, #tpu.memory_space<vmem>>) target_semaphore(%arg14 : memref<!tpu.dma_semaphore, #tpu.memory_space<semaphore_mem>>)
    %dma_wait3A = arith.constant 0 : i32
    %dma_wait3A_22 = tpu.memref_slice %arg2[%add3A, %dma_wait3A] : memref<32x6400xi32, #tpu.memory_space<hbm>> -> memref<1x6400xi32, #tpu.memory_space<hbm>>
    %dma_wait3A_23 = tpu.memref_squeeze %dma_wait3A_22 : memref<1x6400xi32, #tpu.memory_space<hbm>> -> memref<6400xi32, #tpu.memory_space<hbm>>
    %dma_wait3A_24 = arith.constant 0 : i32
    %dma_wait3A_25 = tpu.memref_slice %arg2[%add3A, %dma_wait3A_24] : memref<32x6400xi32, #tpu.memory_space<hbm>> -> memref<1x6400xi32, #tpu.memory_space<hbm>>
    %dma_wait3A_26 = tpu.memref_squeeze %dma_wait3A_25 : memref<1x6400xi32, #tpu.memory_space<hbm>> -> memref<6400xi32, #tpu.memory_space<hbm>>
    tpu.wait_dma2 semaphore(%arg14 : memref<!tpu.dma_semaphore, #tpu.memory_space<semaphore_mem>>) src(%dma_wait3A_26 : memref<6400xi32, #tpu.memory_space<hbm>>) dst(%arg9 : memref<6400xi32, #tpu.memory_space<vmem>>)
    %dma_wait3A_27 = arith.constant 0 : i32
    %dma_wait3A_28 = tpu.memref_slice %arg3[%add3A, %dma_wait3A_27] : memref<32x6400xi32, #tpu.memory_space<hbm>> -> memref<1x6400xi32, #tpu.memory_space<hbm>>
    %dma_wait3A_29 = tpu.memref_squeeze %dma_wait3A_28 : memref<1x6400xi32, #tpu.memory_space<hbm>> -> memref<6400xi32, #tpu.memory_space<hbm>>
    %dma_wait3A_30 = arith.constant 0 : i32
    %dma_wait3A_31 = tpu.memref_slice %arg3[%add3A, %dma_wait3A_30] : memref<32x6400xi32, #tpu.memory_space<hbm>> -> memref<1x6400xi32, #tpu.memory_space<hbm>>
    %dma_wait3A_32 = tpu.memref_squeeze %dma_wait3A_31 : memref<1x6400xi32, #tpu.memory_space<hbm>> -> memref<6400xi32, #tpu.memory_space<hbm>>
    tpu.wait_dma2 semaphore(%arg14 : memref<!tpu.dma_semaphore, #tpu.memory_space<semaphore_mem>>) src(%dma_wait3A_32 : memref<6400xi32, #tpu.memory_space<hbm>>) dst(%arg10 : memref<6400xi32, #tpu.memory_space<vmem>>)
    %dma_wait3A_33 = arith.constant 0 : i32
    %dma_wait3A_34 = tpu.memref_slice %arg4[%add3A, %dma_wait3A_33] : memref<32x6400xi32, #tpu.memory_space<hbm>> -> memref<1x6400xi32, #tpu.memory_space<hbm>>
    %dma_wait3A_35 = tpu.memref_squeeze %dma_wait3A_34 : memref<1x6400xi32, #tpu.memory_space<hbm>> -> memref<6400xi32, #tpu.memory_space<hbm>>
    %dma_wait3A_36 = arith.constant 0 : i32
    %dma_wait3A_37 = tpu.memref_slice %arg4[%add3A, %dma_wait3A_36] : memref<32x6400xi32, #tpu.memory_space<hbm>> -> memref<1x6400xi32, #tpu.memory_space<hbm>>
    %dma_wait3A_38 = tpu.memref_squeeze %dma_wait3A_37 : memref<1x6400xi32, #tpu.memory_space<hbm>> -> memref<6400xi32, #tpu.memory_space<hbm>>
    tpu.wait_dma2 semaphore(%arg14 : memref<!tpu.dma_semaphore, #tpu.memory_space<semaphore_mem>>) src(%dma_wait3A_38 : memref<6400xi32, #tpu.memory_space<hbm>>) dst(%arg11 : memref<6400xi32, #tpu.memory_space<vmem>>)
    %scan3A = arith.constant 0 : i32
    %scan3A_39 = arith.constant 112 : i32
    %scan3A_40 = arith.addi %scan3A, %scan3A_39 : i32
    %scan3A_41 = arith.constant 1 : i32
    scf.for %scan3A_238 = %scan3A to %scan3A_40 step %scan3A_41  : i32 {
      %mul3A_239 = arith.constant 1 : i32
      %mul3A_240 = arith.muli %scan3A_238, %mul3A_239 : i32
      %add3A_241 = arith.constant 0 : i32
      %add3A_242 = arith.addi %add3A_241, %mul3A_240 : i32
      %ge3A = arith.constant 12 : i32
      %ge3A_243 = arith.cmpi sge, %add3A_242, %ge3A : i32
      %convert_element_type3A_244 = arith.extui %ge3A_243 : i1 to i32
      %cond3A_245 = arith.constant 0 : i32
      %cond3A_246 = arith.cmpi ne, %convert_element_type3A_244, %cond3A_245 : i32
      scf.if %cond3A_246 {
        %sub3A = arith.constant 12 : i32
        %sub3A_271 = arith.subi %add3A_242, %sub3A : i32
        %dma_wait3A_272 = arith.constant 0 : i32
        %dma_wait3A_273 = arith.constant 0 : i32
        %dma_wait3A_274 = arith.constant 0 : i32
        %dma_wait3A_275 = tpu.memref_slice %arg12[%dma_wait3A_272, %dma_wait3A_273, %dma_wait3A_274] : memref<13x64x128xf32, #tpu.memory_space<vmem>> -> memref<1x64x128xf32, #tpu.memory_space<vmem>>
        %dma_wait3A_276 = tpu.memref_squeeze %dma_wait3A_275 : memref<1x64x128xf32, #tpu.memory_space<vmem>> -> memref<64x128xf32, #tpu.memory_space<vmem>>
        %dma_wait3A_277 = arith.constant 0 : i32
        %dma_wait3A_278 = arith.constant 0 : i32
        %dma_wait3A_279 = tpu.memref_slice %arg5[%dma_wait3A_277, %dma_wait3A_278] : memref<100000x128xf32, #tpu.memory_space<hbm>> -> memref<64x128xf32, #tpu.memory_space<hbm>>
        %dma_wait3A_280 = arith.constant 0 : i32
        %dma_wait3A_281 = arith.constant 0 : i32
        %dma_wait3A_282 = tpu.memref_slice %arg12[%dma_wait3A_272, %dma_wait3A_280, %dma_wait3A_281] : memref<13x64x128xf32, #tpu.memory_space<vmem>> -> memref<1x64x128xf32, #tpu.memory_space<vmem>>
        %dma_wait3A_283 = tpu.memref_squeeze %dma_wait3A_282 : memref<1x64x128xf32, #tpu.memory_space<vmem>> -> memref<64x128xf32, #tpu.memory_space<vmem>>
        %dma_wait3A_284 = arith.constant 0 : i32
        %dma_wait3A_285 = arith.constant 0 : i32
        %dma_wait3A_286 = tpu.memref_slice %arg5[%dma_wait3A_284, %dma_wait3A_285] : memref<100000x128xf32, #tpu.memory_space<hbm>> -> memref<64x128xf32, #tpu.memory_space<hbm>>
        tpu.wait_dma2 semaphore(%arg16 : memref<!tpu.dma_semaphore, #tpu.memory_space<semaphore_mem>>) src(%dma_wait3A_286 : memref<64x128xf32, #tpu.memory_space<hbm>>) dst(%dma_wait3A_283 : memref<64x128xf32, #tpu.memory_space<vmem>>)
        %rem3A = arith.constant 13 : i32
        %rem3A_287 = arith.remsi %sub3A_271, %rem3A : i32
        %add3A_288 = arith.addi %mul3A_2, %sub3A_271 : i32
        %mul3A_289 = arith.constant 64 : i32
        %mul3A_290 = arith.muli %add3A_288, %mul3A_289 : i32
        %dma_start3A_291 = arith.constant 0 : i32
        %dma_start3A_292 = arith.constant 0 : i32
        %dma_start3A_293 = tpu.memref_slice %arg12[%rem3A_287, %dma_start3A_291, %dma_start3A_292] : memref<13x64x128xf32, #tpu.memory_space<vmem>> -> memref<1x64x128xf32, #tpu.memory_space<vmem>>
        %dma_start3A_294 = tpu.memref_squeeze %dma_start3A_293 : memref<1x64x128xf32, #tpu.memory_space<vmem>> -> memref<64x128xf32, #tpu.memory_space<vmem>>
        %dma_start3A_295 = arith.constant 0 : i32
        %dma_start3A_296 = tpu.memref_slice %arg8[%mul3A_290, %dma_start3A_295] : memref<204800x128xf32, #tpu.memory_space<hbm>> -> memref<64x128xf32, #tpu.memory_space<hbm>>
        %dma_start3A_297 = arith.constant 0 : i32
        %dma_start3A_298 = tpu.memref_slice %arg8[%mul3A_290, %dma_start3A_297] : memref<204800x128xf32, #tpu.memory_space<hbm>> -> memref<64x128xf32, #tpu.memory_space<hbm>>
        %dma_start3A_299 = arith.constant 0 : i32
        %dma_start3A_300 = arith.constant 0 : i32
        %dma_start3A_301 = tpu.memref_slice %arg12[%rem3A_287, %dma_start3A_299, %dma_start3A_300] : memref<13x64x128xf32, #tpu.memory_space<vmem>> -> memref<1x64x128xf32, #tpu.memory_space<vmem>>
        %dma_start3A_302 = tpu.memref_squeeze %dma_start3A_301 : memref<1x64x128xf32, #tpu.memory_space<vmem>> -> memref<64x128xf32, #tpu.memory_space<vmem>>
        tpu.enqueue_dma source(%dma_start3A_302 : memref<64x128xf32, #tpu.memory_space<vmem>>) target(%dma_start3A_298 : memref<64x128xf32, #tpu.memory_space<hbm>>) target_semaphore(%arg17 : memref<!tpu.dma_semaphore, #tpu.memory_space<semaphore_mem>>)
      } else {
      }
      %eq3A_247 = arith.constant 8 : i32
      %eq3A_248 = arith.cmpi eq, %add3A_242, %eq3A_247 : i32
      %convert_element_type3A_249 = arith.extui %eq3A_248 : i1 to i32
      %cond3A_250 = arith.constant 0 : i32
      %cond3A_251 = arith.cmpi ne, %convert_element_type3A_249, %cond3A_250 : i32
      scf.if %cond3A_251 {
        %eq3A_271 = arith.constant 0 : i32
        %eq3A_272 = arith.cmpi eq, %arg1, %eq3A_271 : i32
        %convert_element_type3A_273 = arith.extui %eq3A_272 : i1 to i32
        %cond3A_274 = arith.constant 0 : i32
        %cond3A_275 = arith.cmpi ne, %convert_element_type3A_273, %cond3A_274 : i32
        scf.if %cond3A_275 {
          tpu.wait_dma2 semaphore(%arg16 : memref<!tpu.dma_semaphore, #tpu.memory_space<semaphore_mem>>) src(%arg7 : memref<512x128xf32, #tpu.memory_space<hbm>>) dst(%arg13 : memref<512x128xf32, #tpu.memory_space<vmem_shared>>)
        } else {
        }
        %barrier3A = arith.constant 0 : index
        tpu.barrier barrier_id(%barrier3A)
      } else {
      }
      %ge3A_252 = arith.constant 8 : i32
      %ge3A_253 = arith.cmpi sge, %add3A_242, %ge3A_252 : i32
      %lt3A = arith.constant 108 : i32
      %lt3A_254 = arith.cmpi slt, %add3A_242, %lt3A : i32
      %and3A = arith.andi %ge3A_253, %lt3A_254 : i1
      %convert_element_type3A_255 = arith.extui %and3A : i1 to i32
      %cond3A_256 = arith.constant 0 : i32
      %cond3A_257 = arith.cmpi ne, %convert_element_type3A_255, %cond3A_256 : i32
      scf.if %cond3A_257 {
        %sub3A = arith.constant 8 : i32
        %sub3A_271 = arith.subi %add3A_242, %sub3A : i32
        %dma_wait3A_272 = arith.constant 0 : i32
        %dma_wait3A_273 = arith.constant 0 : i32
        %dma_wait3A_274 = arith.constant 0 : i32
        %dma_wait3A_275 = tpu.memref_slice %arg12[%dma_wait3A_272, %dma_wait3A_273, %dma_wait3A_274] : memref<13x64x128xf32, #tpu.memory_space<vmem>> -> memref<1x64x128xf32, #tpu.memory_space<vmem>>
        %dma_wait3A_276 = tpu.memref_squeeze %dma_wait3A_275 : memref<1x64x128xf32, #tpu.memory_space<vmem>> -> memref<64x128xf32, #tpu.memory_space<vmem>>
        %dma_wait3A_277 = arith.constant 0 : i32
        %dma_wait3A_278 = arith.constant 0 : i32
        %dma_wait3A_279 = tpu.memref_slice %arg5[%dma_wait3A_277, %dma_wait3A_278] : memref<100000x128xf32, #tpu.memory_space<hbm>> -> memref<64x128xf32, #tpu.memory_space<hbm>>
        %dma_wait3A_280 = arith.constant 0 : i32
        %dma_wait3A_281 = arith.constant 0 : i32
        %dma_wait3A_282 = tpu.memref_slice %arg12[%dma_wait3A_272, %dma_wait3A_280, %dma_wait3A_281] : memref<13x64x128xf32, #tpu.memory_space<vmem>> -> memref<1x64x128xf32, #tpu.memory_space<vmem>>
        %dma_wait3A_283 = tpu.memref_squeeze %dma_wait3A_282 : memref<1x64x128xf32, #tpu.memory_space<vmem>> -> memref<64x128xf32, #tpu.memory_space<vmem>>
        %dma_wait3A_284 = arith.constant 0 : i32
        %dma_wait3A_285 = arith.constant 0 : i32
        %dma_wait3A_286 = tpu.memref_slice %arg5[%dma_wait3A_284, %dma_wait3A_285] : memref<100000x128xf32, #tpu.memory_space<hbm>> -> memref<64x128xf32, #tpu.memory_space<hbm>>
        tpu.wait_dma2 semaphore(%arg15 : memref<!tpu.dma_semaphore, #tpu.memory_space<semaphore_mem>>) src(%dma_wait3A_286 : memref<64x128xf32, #tpu.memory_space<hbm>>) dst(%dma_wait3A_283 : memref<64x128xf32, #tpu.memory_space<vmem>>)
        %mul3A_287 = arith.constant 64 : i32
        %mul3A_288 = arith.muli %sub3A_271, %mul3A_287 : i32
        %rem3A = arith.constant 13 : i32
        %rem3A_289 = arith.remsi %sub3A_271, %rem3A : i32
        %dma_start3A_290 = arith.constant 0 : i32
        %dma_start3A_291 = arith.constant 0 : i32
        %dma_start3A_292 = tpu.memref_slice %arg12[%rem3A_289, %dma_start3A_290, %dma_start3A_291] : memref<13x64x128xf32, #tpu.memory_space<vmem>> -> memref<1x64x128xf32, #tpu.memory_space<vmem>>
        %dma_start3A_293 = tpu.memref_squeeze %dma_start3A_292 : memref<1x64x128xf32, #tpu.memory_space<vmem>> -> memref<64x128xf32, #tpu.memory_space<vmem>>
        %dma_start3A_294 = tpu.memref_slice %arg11[%mul3A_288] : memref<6400xi32, #tpu.memory_space<vmem>> -> memref<64xi32, #tpu.memory_space<vmem>>
        %dma_start3A_295 = arith.constant 0 : i32
        %dma_start3A_296 = arith.constant 0 : i32
        %dma_start3A_297 = tpu.memref_slice %arg13[%dma_start3A_295, %dma_start3A_296] : memref<512x128xf32, #tpu.memory_space<vmem_shared>> -> memref<512x128xf32, #tpu.memory_space<vmem_shared>>
        tpu.enqueue_indirect_dma source(%dma_start3A_297 : memref<512x128xf32, #tpu.memory_space<vmem_shared>>) target(%dma_start3A_293 : memref<64x128xf32, #tpu.memory_space<vmem>>) offsets(%dma_start3A_294 : memref<64xi32, #tpu.memory_space<vmem>>) semaphore(%arg16 : memref<!tpu.dma_semaphore, #tpu.memory_space<semaphore_mem>>) {add = true}
      } else {
      }
      %ge3A_258 = arith.constant 4 : i32
      %ge3A_259 = arith.cmpi sge, %add3A_242, %ge3A_258 : i32
      %lt3A_260 = arith.constant 104 : i32
      %lt3A_261 = arith.cmpi slt, %add3A_242, %lt3A_260 : i32
      %and3A_262 = arith.andi %ge3A_259, %lt3A_261 : i1
      %convert_element_type3A_263 = arith.extui %and3A_262 : i1 to i32
      %cond3A_264 = arith.constant 0 : i32
      %cond3A_265 = arith.cmpi ne, %convert_element_type3A_263, %cond3A_264 : i32
      scf.if %cond3A_265 {
        %sub3A = arith.constant 4 : i32
        %sub3A_271 = arith.subi %add3A_242, %sub3A : i32
        %dma_wait3A_272 = arith.constant 0 : i32
        %dma_wait3A_273 = arith.constant 0 : i32
        %dma_wait3A_274 = arith.constant 0 : i32
        %dma_wait3A_275 = tpu.memref_slice %arg12[%dma_wait3A_272, %dma_wait3A_273, %dma_wait3A_274] : memref<13x64x128xf32, #tpu.memory_space<vmem>> -> memref<1x64x128xf32, #tpu.memory_space<vmem>>
        %dma_wait3A_276 = tpu.memref_squeeze %dma_wait3A_275 : memref<1x64x128xf32, #tpu.memory_space<vmem>> -> memref<64x128xf32, #tpu.memory_space<vmem>>
        %dma_wait3A_277 = arith.constant 0 : i32
        %dma_wait3A_278 = arith.constant 0 : i32
        %dma_wait3A_279 = tpu.memref_slice %arg5[%dma_wait3A_277, %dma_wait3A_278] : memref<100000x128xf32, #tpu.memory_space<hbm>> -> memref<64x128xf32, #tpu.memory_space<hbm>>
        %dma_wait3A_280 = arith.constant 0 : i32
        %dma_wait3A_281 = arith.constant 0 : i32
        %dma_wait3A_282 = tpu.memref_slice %arg12[%dma_wait3A_272, %dma_wait3A_280, %dma_wait3A_281] : memref<13x64x128xf32, #tpu.memory_space<vmem>> -> memref<1x64x128xf32, #tpu.memory_space<vmem>>
        %dma_wait3A_283 = tpu.memref_squeeze %dma_wait3A_282 : memref<1x64x128xf32, #tpu.memory_space<vmem>> -> memref<64x128xf32, #tpu.memory_space<vmem>>
        %dma_wait3A_284 = arith.constant 0 : i32
        %dma_wait3A_285 = arith.constant 0 : i32
        %dma_wait3A_286 = tpu.memref_slice %arg5[%dma_wait3A_284, %dma_wait3A_285] : memref<100000x128xf32, #tpu.memory_space<hbm>> -> memref<64x128xf32, #tpu.memory_space<hbm>>
        tpu.wait_dma2 semaphore(%arg14 : memref<!tpu.dma_semaphore, #tpu.memory_space<semaphore_mem>>) src(%dma_wait3A_286 : memref<64x128xf32, #tpu.memory_space<hbm>>) dst(%dma_wait3A_283 : memref<64x128xf32, #tpu.memory_space<vmem>>)
        %mul3A_287 = arith.constant 64 : i32
        %mul3A_288 = arith.muli %sub3A_271, %mul3A_287 : i32
        %rem3A = arith.constant 13 : i32
        %rem3A_289 = arith.remsi %sub3A_271, %rem3A : i32
        %dma_start3A_290 = arith.constant 0 : i32
        %dma_start3A_291 = arith.constant 0 : i32
        %dma_start3A_292 = tpu.memref_slice %arg12[%rem3A_289, %dma_start3A_290, %dma_start3A_291] : memref<13x64x128xf32, #tpu.memory_space<vmem>> -> memref<1x64x128xf32, #tpu.memory_space<vmem>>
        %dma_start3A_293 = tpu.memref_squeeze %dma_start3A_292 : memref<1x64x128xf32, #tpu.memory_space<vmem>> -> memref<64x128xf32, #tpu.memory_space<vmem>>
        %dma_start3A_294 = tpu.memref_slice %arg10[%mul3A_288] : memref<6400xi32, #tpu.memory_space<vmem>> -> memref<64xi32, #tpu.memory_space<vmem>>
        %dma_start3A_295 = arith.constant 0 : i32
        %dma_start3A_296 = arith.constant 0 : i32
        %dma_start3A_297 = tpu.memref_slice %arg6[%dma_start3A_295, %dma_start3A_296] : memref<100000x128xf32, #tpu.memory_space<hbm>> -> memref<100000x128xf32, #tpu.memory_space<hbm>>
        tpu.enqueue_indirect_dma source(%dma_start3A_297 : memref<100000x128xf32, #tpu.memory_space<hbm>>) target(%dma_start3A_293 : memref<64x128xf32, #tpu.memory_space<vmem>>) offsets(%dma_start3A_294 : memref<64xi32, #tpu.memory_space<vmem>>) semaphore(%arg15 : memref<!tpu.dma_semaphore, #tpu.memory_space<semaphore_mem>>) {add = true}
      } else {
      }
      %lt3A_266 = arith.constant 100 : i32
      %lt3A_267 = arith.cmpi slt, %add3A_242, %lt3A_266 : i32
      %convert_element_type3A_268 = arith.extui %lt3A_267 : i1 to i32
      %cond3A_269 = arith.constant 0 : i32
      %cond3A_270 = arith.cmpi ne, %convert_element_type3A_268, %cond3A_269 : i32
      scf.if %cond3A_270 {
        %ge3A_271 = arith.constant 13 : i32
        %ge3A_272 = arith.cmpi sge, %add3A_242, %ge3A_271 : i32
        %convert_element_type3A_273 = arith.extui %ge3A_272 : i1 to i32
        %cond3A_274 = arith.constant 0 : i32
        %cond3A_275 = arith.cmpi ne, %convert_element_type3A_273, %cond3A_274 : i32
        scf.if %cond3A_275 {
          %dma_wait3A_287 = arith.constant 0 : i32
          %dma_wait3A_288 = arith.constant 0 : i32
          %dma_wait3A_289 = arith.constant 0 : i32
          %dma_wait3A_290 = tpu.memref_slice %arg12[%dma_wait3A_287, %dma_wait3A_288, %dma_wait3A_289] : memref<13x64x128xf32, #tpu.memory_space<vmem>> -> memref<1x64x128xf32, #tpu.memory_space<vmem>>
          %dma_wait3A_291 = tpu.memref_squeeze %dma_wait3A_290 : memref<1x64x128xf32, #tpu.memory_space<vmem>> -> memref<64x128xf32, #tpu.memory_space<vmem>>
          %dma_wait3A_292 = arith.constant 0 : i32
          %dma_wait3A_293 = arith.constant 0 : i32
          %dma_wait3A_294 = tpu.memref_slice %arg8[%dma_wait3A_292, %dma_wait3A_293] : memref<204800x128xf32, #tpu.memory_space<hbm>> -> memref<64x128xf32, #tpu.memory_space<hbm>>
          %dma_wait3A_295 = arith.constant 0 : i32
          %dma_wait3A_296 = arith.constant 0 : i32
          %dma_wait3A_297 = tpu.memref_slice %arg8[%dma_wait3A_295, %dma_wait3A_296] : memref<204800x128xf32, #tpu.memory_space<hbm>> -> memref<64x128xf32, #tpu.memory_space<hbm>>
          %dma_wait3A_298 = arith.constant 0 : i32
          %dma_wait3A_299 = arith.constant 0 : i32
          %dma_wait3A_300 = tpu.memref_slice %arg12[%dma_wait3A_287, %dma_wait3A_298, %dma_wait3A_299] : memref<13x64x128xf32, #tpu.memory_space<vmem>> -> memref<1x64x128xf32, #tpu.memory_space<vmem>>
          %dma_wait3A_301 = tpu.memref_squeeze %dma_wait3A_300 : memref<1x64x128xf32, #tpu.memory_space<vmem>> -> memref<64x128xf32, #tpu.memory_space<vmem>>
          tpu.wait_dma2 semaphore(%arg17 : memref<!tpu.dma_semaphore, #tpu.memory_space<semaphore_mem>>) src(%dma_wait3A_301 : memref<64x128xf32, #tpu.memory_space<vmem>>) dst(%dma_wait3A_297 : memref<64x128xf32, #tpu.memory_space<hbm>>)
        } else {
        }
        %mul3A_276 = arith.constant 64 : i32
        %mul3A_277 = arith.muli %add3A_242, %mul3A_276 : i32
        %rem3A = arith.constant 13 : i32
        %rem3A_278 = arith.remsi %add3A_242, %rem3A : i32
        %dma_start3A_279 = arith.constant 0 : i32
        %dma_start3A_280 = arith.constant 0 : i32
        %dma_start3A_281 = tpu.memref_slice %arg12[%rem3A_278, %dma_start3A_279, %dma_start3A_280] : memref<13x64x128xf32, #tpu.memory_space<vmem>> -> memref<1x64x128xf32, #tpu.memory_space<vmem>>
        %dma_start3A_282 = tpu.memref_squeeze %dma_start3A_281 : memref<1x64x128xf32, #tpu.memory_space<vmem>> -> memref<64x128xf32, #tpu.memory_space<vmem>>
        %dma_start3A_283 = tpu.memref_slice %arg9[%mul3A_277] : memref<6400xi32, #tpu.memory_space<vmem>> -> memref<64xi32, #tpu.memory_space<vmem>>
        %dma_start3A_284 = arith.constant 0 : i32
        %dma_start3A_285 = arith.constant 0 : i32
        %dma_start3A_286 = tpu.memref_slice %arg5[%dma_start3A_284, %dma_start3A_285] : memref<100000x128xf32, #tpu.memory_space<hbm>> -> memref<100000x128xf32, #tpu.memory_space<hbm>>
        tpu.enqueue_indirect_dma source(%dma_start3A_286 : memref<100000x128xf32, #tpu.memory_space<hbm>>) target(%dma_start3A_282 : memref<64x128xf32, #tpu.memory_space<vmem>>) offsets(%dma_start3A_283 : memref<64xi32, #tpu.memory_space<vmem>>) semaphore(%arg14 : memref<!tpu.dma_semaphore, #tpu.memory_space<semaphore_mem>>)
      } else {
      }
    }
    %scan3A_42 = arith.constant 112 : i32
    %dma_wait3A_43 = arith.constant 0 : i32
    %dma_wait3A_44 = arith.constant 0 : i32
    %dma_wait3A_45 = arith.constant 0 : i32
    %dma_wait3A_46 = tpu.memref_slice %arg12[%dma_wait3A_43, %dma_wait3A_44, %dma_wait3A_45] : memref<13x64x128xf32, #tpu.memory_space<vmem>> -> memref<1x64x128xf32, #tpu.memory_space<vmem>>
    %dma_wait3A_47 = tpu.memref_squeeze %dma_wait3A_46 : memref<1x64x128xf32, #tpu.memory_space<vmem>> -> memref<64x128xf32, #tpu.memory_space<vmem>>
    %dma_wait3A_48 = arith.constant 0 : i32
    %dma_wait3A_49 = arith.constant 0 : i32
    %dma_wait3A_50 = tpu.memref_slice %arg8[%dma_wait3A_48, %dma_wait3A_49] : memref<204800x128xf32, #tpu.memory_space<hbm>> -> memref<64x128xf32, #tpu.memory_space<hbm>>
    %dma_wait3A_51 = arith.constant 0 : i32
    %dma_wait3A_52 = arith.constant 0 : i32
    %dma_wait3A_53 = tpu.memref_slice %arg8[%dma_wait3A_51, %dma_wait3A_52] : memref<204800x128xf32, #tpu.memory_space<hbm>> -> memref<64x128xf32, #tpu.memory_space<hbm>>
    %dma_wait3A_54 = arith.constant 0 : i32
    %dma_wait3A_55 = arith.constant 0 : i32
    %dma_wait3A_56 = tpu.memref_slice %arg12[%dma_wait3A_43, %dma_wait3A_54, %dma_wait3A_55] : memref<13x64x128xf32, #tpu.memory_space<vmem>> -> memref<1x64x128xf32, #tpu.memory_space<vmem>>
    %dma_wait3A_57 = tpu.memref_squeeze %dma_wait3A_56 : memref<1x64x128xf32, #tpu.memory_space<vmem>> -> memref<64x128xf32, #tpu.memory_space<vmem>>
    tpu.wait_dma2 semaphore(%arg17 : memref<!tpu.dma_semaphore, #tpu.memory_space<semaphore_mem>>) src(%dma_wait3A_57 : memref<64x128xf32, #tpu.memory_space<vmem>>) dst(%dma_wait3A_53 : memref<64x128xf32, #tpu.memory_space<hbm>>)
    %dma_wait3A_58 = arith.constant 0 : i32
    %dma_wait3A_59 = arith.constant 0 : i32
    %dma_wait3A_60 = arith.constant 0 : i32
    %dma_wait3A_61 = tpu.memref_slice %arg12[%dma_wait3A_58, %dma_wait3A_59, %dma_wait3A_60] : memref<13x64x128xf32, #tpu.memory_space<vmem>> -> memref<1x64x128xf32, #tpu.memory_space<vmem>>
    %dma_wait3A_62 = tpu.memref_squeeze %dma_wait3A_61 : memref<1x64x128xf32, #tpu.memory_space<vmem>> -> memref<64x128xf32, #tpu.memory_space<vmem>>
    %dma_wait3A_63 = arith.constant 0 : i32
    %dma_wait3A_64 = arith.constant 0 : i32
    %dma_wait3A_65 = tpu.memref_slice %arg8[%dma_wait3A_63, %dma_wait3A_64] : memref<204800x128xf32, #tpu.memory_space<hbm>> -> memref<64x128xf32, #tpu.memory_space<hbm>>
    %dma_wait3A_66 = arith.constant 0 : i32
    %dma_wait3A_67 = arith.constant 0 : i32
    %dma_wait3A_68 = tpu.memref_slice %arg8[%dma_wait3A_66, %dma_wait3A_67] : memref<204800x128xf32, #tpu.memory_space<hbm>> -> memref<64x128xf32, #tpu.memory_space<hbm>>
    %dma_wait3A_69 = arith.constant 0 : i32
    %dma_wait3A_70 = arith.constant 0 : i32
    %dma_wait3A_71 = tpu.memref_slice %arg12[%dma_wait3A_58, %dma_wait3A_69, %dma_wait3A_70] : memref<13x64x128xf32, #tpu.memory_space<vmem>> -> memref<1x64x128xf32, #tpu.memory_space<vmem>>
    %dma_wait3A_72 = tpu.memref_squeeze %dma_wait3A_71 : memref<1x64x128xf32, #tpu.memory_space<vmem>> -> memref<64x128xf32, #tpu.memory_space<vmem>>
    tpu.wait_dma2 semaphore(%arg17 : memref<!tpu.dma_semaphore, #tpu.memory_space<semaphore_mem>>) src(%dma_wait3A_72 : memref<64x128xf32, #tpu.memory_space<vmem>>) dst(%dma_wait3A_68 : memref<64x128xf32, #tpu.memory_space<hbm>>)
    %dma_wait3A_73 = arith.constant 0 : i32
    %dma_wait3A_74 = arith.constant 0 : i32
    %dma_wait3A_75 = arith.constant 0 : i32
    %dma_wait3A_76 = tpu.memref_slice %arg12[%dma_wait3A_73, %dma_wait3A_74, %dma_wait3A_75] : memref<13x64x128xf32, #tpu.memory_space<vmem>> -> memref<1x64x128xf32, #tpu.memory_space<vmem>>
    %dma_wait3A_77 = tpu.memref_squeeze %dma_wait3A_76 : memref<1x64x128xf32, #tpu.memory_space<vmem>> -> memref<64x128xf32, #tpu.memory_space<vmem>>
    %dma_wait3A_78 = arith.constant 0 : i32
    %dma_wait3A_79 = arith.constant 0 : i32
    %dma_wait3A_80 = tpu.memref_slice %arg8[%dma_wait3A_78, %dma_wait3A_79] : memref<204800x128xf32, #tpu.memory_space<hbm>> -> memref<64x128xf32, #tpu.memory_space<hbm>>
    %dma_wait3A_81 = arith.constant 0 : i32
    %dma_wait3A_82 = arith.constant 0 : i32
    %dma_wait3A_83 = tpu.memref_slice %arg8[%dma_wait3A_81, %dma_wait3A_82] : memref<204800x128xf32, #tpu.memory_space<hbm>> -> memref<64x128xf32, #tpu.memory_space<hbm>>
    %dma_wait3A_84 = arith.constant 0 : i32
    %dma_wait3A_85 = arith.constant 0 : i32
    %dma_wait3A_86 = tpu.memref_slice %arg12[%dma_wait3A_73, %dma_wait3A_84, %dma_wait3A_85] : memref<13x64x128xf32, #tpu.memory_space<vmem>> -> memref<1x64x128xf32, #tpu.memory_space<vmem>>
    %dma_wait3A_87 = tpu.memref_squeeze %dma_wait3A_86 : memref<1x64x128xf32, #tpu.memory_space<vmem>> -> memref<64x128xf32, #tpu.memory_space<vmem>>
    tpu.wait_dma2 semaphore(%arg17 : memref<!tpu.dma_semaphore, #tpu.memory_space<semaphore_mem>>) src(%dma_wait3A_87 : memref<64x128xf32, #tpu.memory_space<vmem>>) dst(%dma_wait3A_83 : memref<64x128xf32, #tpu.memory_space<hbm>>)
    %dma_wait3A_88 = arith.constant 0 : i32
    %dma_wait3A_89 = arith.constant 0 : i32
    %dma_wait3A_90 = arith.constant 0 : i32
    %dma_wait3A_91 = tpu.memref_slice %arg12[%dma_wait3A_88, %dma_wait3A_89, %dma_wait3A_90] : memref<13x64x128xf32, #tpu.memory_space<vmem>> -> memref<1x64x128xf32, #tpu.memory_space<vmem>>
    %dma_wait3A_92 = tpu.memref_squeeze %dma_wait3A_91 : memref<1x64x128xf32, #tpu.memory_space<vmem>> -> memref<64x128xf32, #tpu.memory_space<vmem>>
    %dma_wait3A_93 = arith.constant 0 : i32
    %dma_wait3A_94 = arith.constant 0 : i32
    %dma_wait3A_95 = tpu.memref_slice %arg8[%dma_wait3A_93, %dma_wait3A_94] : memref<204800x128xf32, #tpu.memory_space<hbm>> -> memref<64x128xf32, #tpu.memory_space<hbm>>
    %dma_wait3A_96 = arith.constant 0 : i32
    %dma_wait3A_97 = arith.constant 0 : i32
    %dma_wait3A_98 = tpu.memref_slice %arg8[%dma_wait3A_96, %dma_wait3A_97] : memref<204800x128xf32, #tpu.memory_space<hbm>> -> memref<64x128xf32, #tpu.memory_space<hbm>>
    %dma_wait3A_99 = arith.constant 0 : i32
    %dma_wait3A_100 = arith.constant 0 : i32
    %dma_wait3A_101 = tpu.memref_slice %arg12[%dma_wait3A_88, %dma_wait3A_99, %dma_wait3A_100] : memref<13x64x128xf32, #tpu.memory_space<vmem>> -> memref<1x64x128xf32, #tpu.memory_space<vmem>>
    %dma_wait3A_102 = tpu.memref_squeeze %dma_wait3A_101 : memref<1x64x128xf32, #tpu.memory_space<vmem>> -> memref<64x128xf32, #tpu.memory_space<vmem>>
    tpu.wait_dma2 semaphore(%arg17 : memref<!tpu.dma_semaphore, #tpu.memory_space<semaphore_mem>>) src(%dma_wait3A_102 : memref<64x128xf32, #tpu.memory_space<vmem>>) dst(%dma_wait3A_98 : memref<64x128xf32, #tpu.memory_space<hbm>>)
    %dma_wait3A_103 = arith.constant 0 : i32
    %dma_wait3A_104 = arith.constant 0 : i32
    %dma_wait3A_105 = arith.constant 0 : i32
    %dma_wait3A_106 = tpu.memref_slice %arg12[%dma_wait3A_103, %dma_wait3A_104, %dma_wait3A_105] : memref<13x64x128xf32, #tpu.memory_space<vmem>> -> memref<1x64x128xf32, #tpu.memory_space<vmem>>
    %dma_wait3A_107 = tpu.memref_squeeze %dma_wait3A_106 : memref<1x64x128xf32, #tpu.memory_space<vmem>> -> memref<64x128xf32, #tpu.memory_space<vmem>>
    %dma_wait3A_108 = arith.constant 0 : i32
    %dma_wait3A_109 = arith.constant 0 : i32
    %dma_wait3A_110 = tpu.memref_slice %arg8[%dma_wait3A_108, %dma_wait3A_109] : memref<204800x128xf32, #tpu.memory_space<hbm>> -> memref<64x128xf32, #tpu.memory_space<hbm>>
    %dma_wait3A_111 = arith.constant 0 : i32
    %dma_wait3A_112 = arith.constant 0 : i32
    %dma_wait3A_113 = tpu.memref_slice %arg8[%dma_wait3A_111, %dma_wait3A_112] : memref<204800x128xf32, #tpu.memory_space<hbm>> -> memref<64x128xf32, #tpu.memory_space<hbm>>
    %dma_wait3A_114 = arith.constant 0 : i32
    %dma_wait3A_115 = arith.constant 0 : i32
    %dma_wait3A_116 = tpu.memref_slice %arg12[%dma_wait3A_103, %dma_wait3A_114, %dma_wait3A_115] : memref<13x64x128xf32, #tpu.memory_space<vmem>> -> memref<1x64x128xf32, #tpu.memory_space<vmem>>
    %dma_wait3A_117 = tpu.memref_squeeze %dma_wait3A_116 : memref<1x64x128xf32, #tpu.memory_space<vmem>> -> memref<64x128xf32, #tpu.memory_space<vmem>>
    tpu.wait_dma2 semaphore(%arg17 : memref<!tpu.dma_semaphore, #tpu.memory_space<semaphore_mem>>) src(%dma_wait3A_117 : memref<64x128xf32, #tpu.memory_space<vmem>>) dst(%dma_wait3A_113 : memref<64x128xf32, #tpu.memory_space<hbm>>)
    %dma_wait3A_118 = arith.constant 0 : i32
    %dma_wait3A_119 = arith.constant 0 : i32
    %dma_wait3A_120 = arith.constant 0 : i32
    %dma_wait3A_121 = tpu.memref_slice %arg12[%dma_wait3A_118, %dma_wait3A_119, %dma_wait3A_120] : memref<13x64x128xf32, #tpu.memory_space<vmem>> -> memref<1x64x128xf32, #tpu.memory_space<vmem>>
    %dma_wait3A_122 = tpu.memref_squeeze %dma_wait3A_121 : memref<1x64x128xf32, #tpu.memory_space<vmem>> -> memref<64x128xf32, #tpu.memory_space<vmem>>
    %dma_wait3A_123 = arith.constant 0 : i32
    %dma_wait3A_124 = arith.constant 0 : i32
    %dma_wait3A_125 = tpu.memref_slice %arg8[%dma_wait3A_123, %dma_wait3A_124] : memref<204800x128xf32, #tpu.memory_space<hbm>> -> memref<64x128xf32, #tpu.memory_space<hbm>>
    %dma_wait3A_126 = arith.constant 0 : i32
    %dma_wait3A_127 = arith.constant 0 : i32
    %dma_wait3A_128 = tpu.memref_slice %arg8[%dma_wait3A_126, %dma_wait3A_127] : memref<204800x128xf32, #tpu.memory_space<hbm>> -> memref<64x128xf32, #tpu.memory_space<hbm>>
    %dma_wait3A_129 = arith.constant 0 : i32
    %dma_wait3A_130 = arith.constant 0 : i32
    %dma_wait3A_131 = tpu.memref_slice %arg12[%dma_wait3A_118, %dma_wait3A_129, %dma_wait3A_130] : memref<13x64x128xf32, #tpu.memory_space<vmem>> -> memref<1x64x128xf32, #tpu.memory_space<vmem>>
    %dma_wait3A_132 = tpu.memref_squeeze %dma_wait3A_131 : memref<1x64x128xf32, #tpu.memory_space<vmem>> -> memref<64x128xf32, #tpu.memory_space<vmem>>
    tpu.wait_dma2 semaphore(%arg17 : memref<!tpu.dma_semaphore, #tpu.memory_space<semaphore_mem>>) src(%dma_wait3A_132 : memref<64x128xf32, #tpu.memory_space<vmem>>) dst(%dma_wait3A_128 : memref<64x128xf32, #tpu.memory_space<hbm>>)
    %dma_wait3A_133 = arith.constant 0 : i32
    %dma_wait3A_134 = arith.constant 0 : i32
    %dma_wait3A_135 = arith.constant 0 : i32
    %dma_wait3A_136 = tpu.memref_slice %arg12[%dma_wait3A_133, %dma_wait3A_134, %dma_wait3A_135] : memref<13x64x128xf32, #tpu.memory_space<vmem>> -> memref<1x64x128xf32, #tpu.memory_space<vmem>>
    %dma_wait3A_137 = tpu.memref_squeeze %dma_wait3A_136 : memref<1x64x128xf32, #tpu.memory_space<vmem>> -> memref<64x128xf32, #tpu.memory_space<vmem>>
    %dma_wait3A_138 = arith.constant 0 : i32
    %dma_wait3A_139 = arith.constant 0 : i32
    %dma_wait3A_140 = tpu.memref_slice %arg8[%dma_wait3A_138, %dma_wait3A_139] : memref<204800x128xf32, #tpu.memory_space<hbm>> -> memref<64x128xf32, #tpu.memory_space<hbm>>
    %dma_wait3A_141 = arith.constant 0 : i32
    %dma_wait3A_142 = arith.constant 0 : i32
    %dma_wait3A_143 = tpu.memref_slice %arg8[%dma_wait3A_141, %dma_wait3A_142] : memref<204800x128xf32, #tpu.memory_space<hbm>> -> memref<64x128xf32, #tpu.memory_space<hbm>>
    %dma_wait3A_144 = arith.constant 0 : i32
    %dma_wait3A_145 = arith.constant 0 : i32
    %dma_wait3A_146 = tpu.memref_slice %arg12[%dma_wait3A_133, %dma_wait3A_144, %dma_wait3A_145] : memref<13x64x128xf32, #tpu.memory_space<vmem>> -> memref<1x64x128xf32, #tpu.memory_space<vmem>>
    %dma_wait3A_147 = tpu.memref_squeeze %dma_wait3A_146 : memref<1x64x128xf32, #tpu.memory_space<vmem>> -> memref<64x128xf32, #tpu.memory_space<vmem>>
    tpu.wait_dma2 semaphore(%arg17 : memref<!tpu.dma_semaphore, #tpu.memory_space<semaphore_mem>>) src(%dma_wait3A_147 : memref<64x128xf32, #tpu.memory_space<vmem>>) dst(%dma_wait3A_143 : memref<64x128xf32, #tpu.memory_space<hbm>>)
    %dma_wait3A_148 = arith.constant 0 : i32
    %dma_wait3A_149 = arith.constant 0 : i32
    %dma_wait3A_150 = arith.constant 0 : i32
    %dma_wait3A_151 = tpu.memref_slice %arg12[%dma_wait3A_148, %dma_wait3A_149, %dma_wait3A_150] : memref<13x64x128xf32, #tpu.memory_space<vmem>> -> memref<1x64x128xf32, #tpu.memory_space<vmem>>
    %dma_wait3A_152 = tpu.memref_squeeze %dma_wait3A_151 : memref<1x64x128xf32, #tpu.memory_space<vmem>> -> memref<64x128xf32, #tpu.memory_space<vmem>>
    %dma_wait3A_153 = arith.constant 0 : i32
    %dma_wait3A_154 = arith.constant 0 : i32
    %dma_wait3A_155 = tpu.memref_slice %arg8[%dma_wait3A_153, %dma_wait3A_154] : memref<204800x128xf32, #tpu.memory_space<hbm>> -> memref<64x128xf32, #tpu.memory_space<hbm>>
    %dma_wait3A_156 = arith.constant 0 : i32
    %dma_wait3A_157 = arith.constant 0 : i32
    %dma_wait3A_158 = tpu.memref_slice %arg8[%dma_wait3A_156, %dma_wait3A_157] : memref<204800x128xf32, #tpu.memory_space<hbm>> -> memref<64x128xf32, #tpu.memory_space<hbm>>
    %dma_wait3A_159 = arith.constant 0 : i32
    %dma_wait3A_160 = arith.constant 0 : i32
    %dma_wait3A_161 = tpu.memref_slice %arg12[%dma_wait3A_148, %dma_wait3A_159, %dma_wait3A_160] : memref<13x64x128xf32, #tpu.memory_space<vmem>> -> memref<1x64x128xf32, #tpu.memory_space<vmem>>
    %dma_wait3A_162 = tpu.memref_squeeze %dma_wait3A_161 : memref<1x64x128xf32, #tpu.memory_space<vmem>> -> memref<64x128xf32, #tpu.memory_space<vmem>>
    tpu.wait_dma2 semaphore(%arg17 : memref<!tpu.dma_semaphore, #tpu.memory_space<semaphore_mem>>) src(%dma_wait3A_162 : memref<64x128xf32, #tpu.memory_space<vmem>>) dst(%dma_wait3A_158 : memref<64x128xf32, #tpu.memory_space<hbm>>)
    %dma_wait3A_163 = arith.constant 0 : i32
    %dma_wait3A_164 = arith.constant 0 : i32
    %dma_wait3A_165 = arith.constant 0 : i32
    %dma_wait3A_166 = tpu.memref_slice %arg12[%dma_wait3A_163, %dma_wait3A_164, %dma_wait3A_165] : memref<13x64x128xf32, #tpu.memory_space<vmem>> -> memref<1x64x128xf32, #tpu.memory_space<vmem>>
    %dma_wait3A_167 = tpu.memref_squeeze %dma_wait3A_166 : memref<1x64x128xf32, #tpu.memory_space<vmem>> -> memref<64x128xf32, #tpu.memory_space<vmem>>
    %dma_wait3A_168 = arith.constant 0 : i32
    %dma_wait3A_169 = arith.constant 0 : i32
    %dma_wait3A_170 = tpu.memref_slice %arg8[%dma_wait3A_168, %dma_wait3A_169] : memref<204800x128xf32, #tpu.memory_space<hbm>> -> memref<64x128xf32, #tpu.memory_space<hbm>>
    %dma_wait3A_171 = arith.constant 0 : i32
    %dma_wait3A_172 = arith.constant 0 : i32
    %dma_wait3A_173 = tpu.memref_slice %arg8[%dma_wait3A_171, %dma_wait3A_172] : memref<204800x128xf32, #tpu.memory_space<hbm>> -> memref<64x128xf32, #tpu.memory_space<hbm>>
    %dma_wait3A_174 = arith.constant 0 : i32
    %dma_wait3A_175 = arith.constant 0 : i32
    %dma_wait3A_176 = tpu.memref_slice %arg12[%dma_wait3A_163, %dma_wait3A_174, %dma_wait3A_175] : memref<13x64x128xf32, #tpu.memory_space<vmem>> -> memref<1x64x128xf32, #tpu.memory_space<vmem>>
    %dma_wait3A_177 = tpu.memref_squeeze %dma_wait3A_176 : memref<1x64x128xf32, #tpu.memory_space<vmem>> -> memref<64x128xf32, #tpu.memory_space<vmem>>
    tpu.wait_dma2 semaphore(%arg17 : memref<!tpu.dma_semaphore, #tpu.memory_space<semaphore_mem>>) src(%dma_wait3A_177 : memref<64x128xf32, #tpu.memory_space<vmem>>) dst(%dma_wait3A_173 : memref<64x128xf32, #tpu.memory_space<hbm>>)
    %dma_wait3A_178 = arith.constant 0 : i32
    %dma_wait3A_179 = arith.constant 0 : i32
    %dma_wait3A_180 = arith.constant 0 : i32
    %dma_wait3A_181 = tpu.memref_slice %arg12[%dma_wait3A_178, %dma_wait3A_179, %dma_wait3A_180] : memref<13x64x128xf32, #tpu.memory_space<vmem>> -> memref<1x64x128xf32, #tpu.memory_space<vmem>>
    %dma_wait3A_182 = tpu.memref_squeeze %dma_wait3A_181 : memref<1x64x128xf32, #tpu.memory_space<vmem>> -> memref<64x128xf32, #tpu.memory_space<vmem>>
    %dma_wait3A_183 = arith.constant 0 : i32
    %dma_wait3A_184 = arith.constant 0 : i32
    %dma_wait3A_185 = tpu.memref_slice %arg8[%dma_wait3A_183, %dma_wait3A_184] : memref<204800x128xf32, #tpu.memory_space<hbm>> -> memref<64x128xf32, #tpu.memory_space<hbm>>
    %dma_wait3A_186 = arith.constant 0 : i32
    %dma_wait3A_187 = arith.constant 0 : i32
    %dma_wait3A_188 = tpu.memref_slice %arg8[%dma_wait3A_186, %dma_wait3A_187] : memref<204800x128xf32, #tpu.memory_space<hbm>> -> memref<64x128xf32, #tpu.memory_space<hbm>>
    %dma_wait3A_189 = arith.constant 0 : i32
    %dma_wait3A_190 = arith.constant 0 : i32
    %dma_wait3A_191 = tpu.memref_slice %arg12[%dma_wait3A_178, %dma_wait3A_189, %dma_wait3A_190] : memref<13x64x128xf32, #tpu.memory_space<vmem>> -> memref<1x64x128xf32, #tpu.memory_space<vmem>>
    %dma_wait3A_192 = tpu.memref_squeeze %dma_wait3A_191 : memref<1x64x128xf32, #tpu.memory_space<vmem>> -> memref<64x128xf32, #tpu.memory_space<vmem>>
    tpu.wait_dma2 semaphore(%arg17 : memref<!tpu.dma_semaphore, #tpu.memory_space<semaphore_mem>>) src(%dma_wait3A_192 : memref<64x128xf32, #tpu.memory_space<vmem>>) dst(%dma_wait3A_188 : memref<64x128xf32, #tpu.memory_space<hbm>>)
    %dma_wait3A_193 = arith.constant 0 : i32
    %dma_wait3A_194 = arith.constant 0 : i32
    %dma_wait3A_195 = arith.constant 0 : i32
    %dma_wait3A_196 = tpu.memref_slice %arg12[%dma_wait3A_193, %dma_wait3A_194, %dma_wait3A_195] : memref<13x64x128xf32, #tpu.memory_space<vmem>> -> memref<1x64x128xf32, #tpu.memory_space<vmem>>
    %dma_wait3A_197 = tpu.memref_squeeze %dma_wait3A_196 : memref<1x64x128xf32, #tpu.memory_space<vmem>> -> memref<64x128xf32, #tpu.memory_space<vmem>>
    %dma_wait3A_198 = arith.constant 0 : i32
    %dma_wait3A_199 = arith.constant 0 : i32
    %dma_wait3A_200 = tpu.memref_slice %arg8[%dma_wait3A_198, %dma_wait3A_199] : memref<204800x128xf32, #tpu.memory_space<hbm>> -> memref<64x128xf32, #tpu.memory_space<hbm>>
    %dma_wait3A_201 = arith.constant 0 : i32
    %dma_wait3A_202 = arith.constant 0 : i32
    %dma_wait3A_203 = tpu.memref_slice %arg8[%dma_wait3A_201, %dma_wait3A_202] : memref<204800x128xf32, #tpu.memory_space<hbm>> -> memref<64x128xf32, #tpu.memory_space<hbm>>
    %dma_wait3A_204 = arith.constant 0 : i32
    %dma_wait3A_205 = arith.constant 0 : i32
    %dma_wait3A_206 = tpu.memref_slice %arg12[%dma_wait3A_193, %dma_wait3A_204, %dma_wait3A_205] : memref<13x64x128xf32, #tpu.memory_space<vmem>> -> memref<1x64x128xf32, #tpu.memory_space<vmem>>
    %dma_wait3A_207 = tpu.memref_squeeze %dma_wait3A_206 : memref<1x64x128xf32, #tpu.memory_space<vmem>> -> memref<64x128xf32, #tpu.memory_space<vmem>>
    tpu.wait_dma2 semaphore(%arg17 : memref<!tpu.dma_semaphore, #tpu.memory_space<semaphore_mem>>) src(%dma_wait3A_207 : memref<64x128xf32, #tpu.memory_space<vmem>>) dst(%dma_wait3A_203 : memref<64x128xf32, #tpu.memory_space<hbm>>)
    %dma_wait3A_208 = arith.constant 0 : i32
    %dma_wait3A_209 = arith.constant 0 : i32
    %dma_wait3A_210 = arith.constant 0 : i32
    %dma_wait3A_211 = tpu.memref_slice %arg12[%dma_wait3A_208, %dma_wait3A_209, %dma_wait3A_210] : memref<13x64x128xf32, #tpu.memory_space<vmem>> -> memref<1x64x128xf32, #tpu.memory_space<vmem>>
    %dma_wait3A_212 = tpu.memref_squeeze %dma_wait3A_211 : memref<1x64x128xf32, #tpu.memory_space<vmem>> -> memref<64x128xf32, #tpu.memory_space<vmem>>
    %dma_wait3A_213 = arith.constant 0 : i32
    %dma_wait3A_214 = arith.constant 0 : i32
    %dma_wait3A_215 = tpu.memref_slice %arg8[%dma_wait3A_213, %dma_wait3A_214] : memref<204800x128xf32, #tpu.memory_space<hbm>> -> memref<64x128xf32, #tpu.memory_space<hbm>>
    %dma_wait3A_216 = arith.constant 0 : i32
    %dma_wait3A_217 = arith.constant 0 : i32
    %dma_wait3A_218 = tpu.memref_slice %arg8[%dma_wait3A_216, %dma_wait3A_217] : memref<204800x128xf32, #tpu.memory_space<hbm>> -> memref<64x128xf32, #tpu.memory_space<hbm>>
    %dma_wait3A_219 = arith.constant 0 : i32
    %dma_wait3A_220 = arith.constant 0 : i32
    %dma_wait3A_221 = tpu.memref_slice %arg12[%dma_wait3A_208, %dma_wait3A_219, %dma_wait3A_220] : memref<13x64x128xf32, #tpu.memory_space<vmem>> -> memref<1x64x128xf32, #tpu.memory_space<vmem>>
    %dma_wait3A_222 = tpu.memref_squeeze %dma_wait3A_221 : memref<1x64x128xf32, #tpu.memory_space<vmem>> -> memref<64x128xf32, #tpu.memory_space<vmem>>
    tpu.wait_dma2 semaphore(%arg17 : memref<!tpu.dma_semaphore, #tpu.memory_space<semaphore_mem>>) src(%dma_wait3A_222 : memref<64x128xf32, #tpu.memory_space<vmem>>) dst(%dma_wait3A_218 : memref<64x128xf32, #tpu.memory_space<hbm>>)
    %dma_wait3A_223 = arith.constant 0 : i32
    %dma_wait3A_224 = arith.constant 0 : i32
    %dma_wait3A_225 = arith.constant 0 : i32
    %dma_wait3A_226 = tpu.memref_slice %arg12[%dma_wait3A_223, %dma_wait3A_224, %dma_wait3A_225] : memref<13x64x128xf32, #tpu.memory_space<vmem>> -> memref<1x64x128xf32, #tpu.memory_space<vmem>>
    %dma_wait3A_227 = tpu.memref_squeeze %dma_wait3A_226 : memref<1x64x128xf32, #tpu.memory_space<vmem>> -> memref<64x128xf32, #tpu.memory_space<vmem>>
    %dma_wait3A_228 = arith.constant 0 : i32
    %dma_wait3A_229 = arith.constant 0 : i32
    %dma_wait3A_230 = tpu.memref_slice %arg8[%dma_wait3A_228, %dma_wait3A_229] : memref<204800x128xf32, #tpu.memory_space<hbm>> -> memref<64x128xf32, #tpu.memory_space<hbm>>
    %dma_wait3A_231 = arith.constant 0 : i32
    %dma_wait3A_232 = arith.constant 0 : i32
    %dma_wait3A_233 = tpu.memref_slice %arg8[%dma_wait3A_231, %dma_wait3A_232] : memref<204800x128xf32, #tpu.memory_space<hbm>> -> memref<64x128xf32, #tpu.memory_space<hbm>>
    %dma_wait3A_234 = arith.constant 0 : i32
    %dma_wait3A_235 = arith.constant 0 : i32
    %dma_wait3A_236 = tpu.memref_slice %arg12[%dma_wait3A_223, %dma_wait3A_234, %dma_wait3A_235] : memref<13x64x128xf32, #tpu.memory_space<vmem>> -> memref<1x64x128xf32, #tpu.memory_space<vmem>>
    %dma_wait3A_237 = tpu.memref_squeeze %dma_wait3A_236 : memref<1x64x128xf32, #tpu.memory_space<vmem>> -> memref<64x128xf32, #tpu.memory_space<vmem>>
    tpu.wait_dma2 semaphore(%arg17 : memref<!tpu.dma_semaphore, #tpu.memory_space<semaphore_mem>>) src(%dma_wait3A_237 : memref<64x128xf32, #tpu.memory_space<vmem>>) dst(%dma_wait3A_233 : memref<64x128xf32, #tpu.memory_space<hbm>>)
    return
  }
}

</mosaic_0001>

<sc_bundles>
// kernel: _run.3.cloned.1.call-start
scs
__scs_entry_jumppad:
0x0: {  	(pc) =	sbr.rel $0x88, $3  }
0x1: {  	(tag) =	ssettag $0x0;
	lr =	simm.s32 $0x1  }
0x2: {  	[smem:$0x3F9B] =	sst lr;
	_ =	strace $0xD0000000  }
0x3: {  	_ = 	snop  }
0x4: {  	_ = 	snop  }
0x5: {  	_ = 	snop  }
0x6: {  	_ = 	snop  }
0x7: {  	_ = 	snop  }
__scs_overlays_trampoline_lowered:
0x8: {  	[smem:$0x3FAA] =	sst s0  }
0x9: {  	[smem:$0x3FAB] =	sst s1  }
0xa: {  	[smem:$0x3FAC] =	sst s2  }
0xb: {  	[smem:$0x3FAD] =	sst s3  }
0xc: {  	[smem:$0x3FAE] =	sst s4  }
0xd: {  	[smem:$0x3FAF] =	sst s5  }
0xe: {  	[smem:$0x3FB0] =	sst s6  }
0xf: {  	[smem:$0x3FB1] =	sst s7  }
0x10: {  	[smem:$0x3FB2] =	sst s8  }
0x11: {  	[smem:$0x3FB3] =	sst s9;
	s0 =	simm.s32 @!p0 $0x0  }
0x12: {  	s1 =	sld [smem:$0x3F99];
	s0 =	simm.s32 @p0 $0x1  }
0x13: {  	[smem:$0x3FB4] =	sst s0;
	s0 =	simm.s32 @!p1 $0x0  }
0x14: {  	s2 =	sld [smem:$0x3F98];
	s0 =	simm.s32 @p1 $0x1  }
0x15: {  	[smem:$0x3FB5] =	sst s0;
	s0 =	simm.s32 @!p2 $0x0  }
0x16: {  	s3 =	sld [smem:$0x3FDB];
	s0 =	simm.s32 @p2 $0x1  }
0x17: {  	s4 =	simm.s32 $0x1BF5;
	[smem:$0x3FB7] =	sst s0  }
0x18: {  	s0 =	sld [smem:$0x3F9A];
	_ =	swait.ge [sflag:s4], $0x0  }
0x19: {  	s7 =	sld [smem:$0x3F9B]  }
0x1a: {  	s8 =	sadd.s32 $0xFFFFE003, lr  }
0x1b: {  	s9 =	sadd.s32 $0xFFFFFEF7, lr;
	s5 =	simm.s32 $0xFFFFFFFF;
	p2 =	slt.u32 s8, $0xFFFFF086  }
0x1c: {  	p1 =	slt.u32 s9, $0xF7A;
	s5 =	simm.s32 @!p2 $0x0  }
0x1d: {  	s5 =	simm.s32 @p1 $0x1;
	p0 =	seq.s32 s7, s2  }
0x1e: {  	s7 =	smul.u32 @!p0 $0xF7A, s2;
	p2 =	seq.s32 @!p0 s5, $0x0  }
0x1f: {  	s9 =	smul.u32 $0xF7A, s1;
	s8 =	simm.s32 @!p0 $0x1BF5;
	p2 =	por !p2, p0  }
0x20: {  	[sflag:s8] =	ssyncset.s32 @!p0 $0xFFFFF086;
	s6 =	sadd.s32 @!p0 s3, s7;
	s7 =	simm.s32 @!p0 $0x108  }
0x21: {  	s3 =	sadd.s32 s3, s9;
	s6 =	sadd.s32 @!p0 $0x88, s6;
	s7 =	simm.s32 @p2 $0x1082  }
0x22: {  	[simem:s7], [sflag:s8] =	dma.local @!p0 [hbm:s6], $0xF7A  }
0x23: {  	s9 =	sor.u32 $0xD0000000, s2;
	s6 =	simm.s32 $0x108;
	_ =	swait.ge @!p0 [sflag:s8], $0x0  }
0x24: {  	s3 =	sadd.s32 $0x88, s3;
	s6 =	simm.s32 @!p1 $0x1082;
	[sflag:s4] =	ssyncset.s32 $0xFFFFF086  }
0x25: {  	[simem:s6], [sflag:s4] =	dma.local [hbm:s3], $0xF7A  }
0x26: {  	[smem:$0x3F9B] =	sst s1;
	(tag) =	ssettag s2;
	_ =	strace s9  }
0x27: {  	s1 =	sld [smem:$0x3FAB]  }
0x28: {  	s2 =	sld [smem:$0x3FAC]  }
0x29: {  	s4 =	sld [smem:$0x3FAE]  }
0x2a: {  	p0 =	seq.s32 s5, $0x0;
	s5 =	sld [smem:$0x3FAF]  }
0x2b: {  	s6 =	sld [smem:$0x3FB0]  }
0x2c: {  	s7 =	sld [smem:$0x3FB1]  }
0x2d: {  	s3 =	simm.s32 $0x108;
	s8 =	sld [smem:$0x3FB2]  }
0x2e: {  	s3 =	simm.s32 @!p0 $0x1082;
	s9 =	sld [smem:$0x3FB3]  }
0x2f: {  	lr =	sadd.s32 s0, s3;
	s0 =	sld [smem:$0x3FAA]  }
0x30: {  	s3 =	sld [smem:$0x3FAD]  }
0x31: {  	[smem:$0x3FB6] =	sst s10  }
0x32: {  	s10 =	sld [smem:$0x3FB4];
	_ =	sdelay $0x3  }
0x33: {  	p0 =	seq.s32 s10, $0x1;
	s10 =	sld [smem:$0x3FB6];
	_ =	sdelay $0x3  }
0x34: {  	[smem:$0x3FB6] =	sst s10  }
0x35: {  	s10 =	sld [smem:$0x3FB5];
	_ =	sdelay $0x3  }
0x36: {  	p1 =	seq.s32 s10, $0x1;
	s10 =	sld [smem:$0x3FB6];
	_ =	sdelay $0x3  }
0x37: {  	[smem:$0x3FB6] =	sst s10  }
0x38: {  	s10 =	sld [smem:$0x3FB7]  }
0x39: {  	_ = 	snop;
	(pc) =	sbr.ind lr, $3  }
0x3a: {  	_ = 	snop  }
0x3b: {  	_ = 	snop  }
0x3c: {  	p2 =	seq.s32 s10, $0x1;
	s10 =	sld [smem:$0x3FB6]  }
0x3d: {  	_ =	shalt  }
0x3e: {  	_ =	shalt  }
0x3f: {  	_ =	shalt  }
0x40: {  	_ =	shalt  }
0x41: {  	_ =	shalt  }
0x42: {  	_ =	shalt  }
0x43: {  	_ =	shalt  }
0x44: {  	_ =	shalt  }
0x45: {  	_ =	shalt  }
0x46: {  	_ =	shalt  }
0x47: {  	_ =	shalt  }
0x48: {  	_ =	shalt  }
0x49: {  	_ =	shalt  }
0x4a: {  	_ =	shalt  }
0x4b: {  	_ =	shalt  }
0x4c: {  	_ =	shalt  }
0x4d: {  	_ =	shalt  }
0x4e: {  	_ =	shalt  }
0x4f: {  	_ =	shalt  }
0x50: {  	_ =	shalt  }
0x51: {  	_ =	shalt  }
0x52: {  	_ =	shalt  }
0x53: {  	_ =	shalt  }
0x54: {  	_ =	shalt  }
0x55: {  	_ =	shalt  }
0x56: {  	_ =	shalt  }
0x57: {  	_ =	shalt  }
0x58: {  	_ =	shalt  }
0x59: {  	_ =	shalt  }
0x5a: {  	_ =	shalt  }
0x5b: {  	_ =	shalt  }
0x5c: {  	_ =	shalt  }
0x5d: {  	_ =	shalt  }
0x5e: {  	_ =	shalt  }
0x5f: {  	_ =	shalt  }
0x60: {  	_ =	shalt  }
0x61: {  	_ =	shalt  }
0x62: {  	_ =	shalt  }
0x63: {  	_ =	shalt  }
0x64: {  	_ =	shalt  }
0x65: {  	_ =	shalt  }
0x66: {  	_ =	shalt  }
0x67: {  	_ =	shalt  }
0x68: {  	_ =	shalt  }
0x69: {  	_ =	shalt  }
0x6a: {  	_ =	shalt  }
0x6b: {  	_ =	shalt  }
0x6c: {  	_ =	shalt  }
0x6d: {  	_ =	shalt  }
0x6e: {  	_ =	shalt  }
0x6f: {  	_ =	shalt  }
0x70: {  	_ =	shalt  }
0x71: {  	_ =	shalt  }
0x72: {  	_ =	shalt  }
0x73: {  	_ =	shalt  }
0x74: {  	_ =	shalt  }
0x75: {  	_ =	shalt  }
0x76: {  	_ =	shalt  }
0x77: {  	_ =	shalt  }
0x78: {  	_ =	shalt  }
0x79: {  	_ =	shalt  }
0x7a: {  	_ =	shalt  }
0x7b: {  	_ =	shalt  }
0x7c: {  	_ =	shalt  }
0x7d: {  	_ =	shalt  }
0x7e: {  	_ =	shalt  }
0x7f: {  	_ =	shalt  }
0x80: {  	_ =	shalt  }
0x81: {  	_ =	shalt  }
0x82: {  	_ =	shalt  }
0x83: {  	_ =	shalt  }
0x84: {  	_ =	shalt  }
0x85: {  	_ =	shalt  }
0x86: {  	_ =	shalt  }
0x87: {  	_ =	shalt  }
.Lfunc_end0:
.L_simem_size_0:
called_computation_lowered:
.L_overlay_start_0:
0x88: {  	s2 =	sld [smem:$0x3FD9]  }
0x89: {  	s3 =	sld [smem:$0x3FFE];
	_ =	sdelay $0x1  }
0x8a: {  	s1 =	srdreg.scid  }
0x8b: {  	s0 =	sand.u32 $0x1, s1  }
0x8c: {  	s18 =	sshll.u32 s0, $0xA;
	s2 =	sadd.s32 s3, s2  }
0x8d: {  	s2 =	sadd.s32 s2, s18  }
0x8e: {  	[smem:$0x3FC2] =	sst s2  }
0x8f: {  	_ = 	snop  }
0x90: {  	s2 =	sld [smem:$0x3FC9]  }
0x91: {  	s19 =	sld [smem:$0x3FC8]  }
0x92: {  	s4 =	sld [smem:$0x3FC7]  }
0x93: {  	s5 =	sld [smem:$0x3FC6]  }
0x94: {  	s6 =	sld [smem:$0x3FC5]  }
0x95: {  	s7 =	sld [smem:$0x3FC4]  }
0x96: {  	s8 =	sld [smem:$0x3FD0];
	(tm) =	ssettm $0x1  }
0x97: {  	s9 =	sld [smem:$0x3FFB];
	_ =	sdelay $0x3  }
0x98: {  	_ =	strace s9  }
0x99: {  	s9 =	sld [smem:$0x3FFC];
	_ =	sdelay $0x3  }
0x9a: {  	_ =	strace s9  }
0x9b: {  	s9 =	sld [smem:$0x3FFD];
	_ =	sdelay $0x3  }
0x9c: {  	_ =	strace s9  }
0x9d: {  	_ =	strace $0x8FFFFFFF  }
0x9e: {  	s20 =	sld [smem:$0x3FDB];
	_ =	sdelay $0x1  }
0x9f: {  	s10 =	simm.s32 $_scs_section_size  }
0xa0: {  	s11 =	simm.s32 $_size__tile_overlayer_lowered;
	s12 =	simm.s32 $_tile_overlayer_lowered  }
0xa1: {  	s23 =	simm.s32 $0x1BFF;
	s22 =	sshll.u32 s12, $0x1;
	s9 =	sadd.s32 s10, s20  }
0xa2: {  	s13 =	simm.s32 $0x0;
	s21 =	sshll.u32 s11, $0x1;
	s11 =	sadd.s32 s22, s9  }
0xa3: {  	[timem:s13], [sflag:s23] =	dma.local [hbm:s11], s21  }
0xa4: {  	_ =	swait.ge [sflag:s23], s21  }
0xa5: {  	s10 =	ssub.s32 $0x0, s21;
	[sflag:s23] =	ssyncset.done $0x0  }
0xa6: {  	[sflag:s23] =	ssyncadd.s32 s10;
	_ =	sdelay $0x1  }
0xa7: {  	s24 =	simm.s32 $0x1B8B  }
0xa8: {  	_ =	swait.ge [sflag:s24], $0x1  }
0xa9: {  	[sflag:s24] =	ssyncset.done $0x0  }
0xaa: {  	s25 =	simm.s32 $0x1B8E;
	[sflag:s24] =	ssyncadd.s32 $0xFFFFFFFF  }
0xab: {  	s26 =	simm.s32 $execute0_lowered;
	[smem:$0x3FD2] =	sst s25  }
0xac: {  	s10 =	sshll.u32 s26, $0x1;
	_ =	strace $0x80000046;
	[dreg:$0x1] =	wrdreg $0xFFFFFFFF  }
0xad: {  	s28 =	simm.s32 $_size_execute0_lowered;
	s9 =	sadd.s32 s9, s10;
	[dreg:$0x0] =	wrdreg $0x0  }
0xae: {  	s10 =	sshll.u32 s28, $0x1;
	[dreg:$0x2] =	wrdreg s9  }
0xaf: {  	[dreg:$0x3] =	wrdreg s10  }
0xb0: {  	[dreg:$0x4] =	wrdreg $0xC0  }
0xb1: {  	_ =	task [dreg:s13], $0x5FFFF  }
0xb2: {  	[dreg:$0x1] =	wrdreg $0xFFFFFFFF  }
0xb3: {  	[dreg:$0x0] =	wrdreg $0x60  }
0xb4: {  	[dreg:$0x2] =	wrdreg s2  }
0xb5: {  	[dreg:$0x3] =	wrdreg s19  }
0xb6: {  	[dreg:$0x4] =	wrdreg s4  }
0xb7: {  	[dreg:$0x5] =	wrdreg s5  }
0xb8: {  	[dreg:$0x6] =	wrdreg s6  }
0xb9: {  	[dreg:$0x7] =	wrdreg s7  }
0xba: {  	[dreg:$0x8] =	wrdreg s8  }
0xbb: {  	[dreg:$0x9] =	wrdreg $0x1EB000  }
0xbc: {  	[dreg:$0xa] =	wrdreg $0x9  }
0xbd: {  	_ =	task.clear_ibuf [dreg:s13], $0xBFFFF;
	_ =	strace $0x90000046  }
0xbe: {  	s29 =	simm.s32 $0x9;
	_ =	strace $0x80000048  }
0xbf: {  	_ =	swait.ge [sflag:s29], $0x1  }
0xc0: {  	[sflag:s29] =	ssyncadd.s32 $0xFFFFFFFF  }
0xc1: {  	_ =	strace $0x90000048  }
0xc2: {  	_ =	sfence  }
0xc3: {  	s30 =	sld [smem:$0x0];
	_ =	sdelay $0x2  }
0xc4: {  	s31 =	sshll.u32 s1, $0xD;
	s1 =	sshrl.u32 s1, $0x2  }
0xc5: {  	s3 =	sand.u32 $0x4000, s31;
	s1 =	sadd.s32 s1, s30  }
0xc6: {  	s0 =	sor.u32 s3, s0;
	s1 =	sshll.u32 s1, $0x11  }
0xc7: {  	s0 =	sor.u32 s1, s0  }
0xc8: {  	s0 =	sadd.s32 $0x8F2B, s0  }
0xc9: {  	[sflag:s0] =	ssyncadd.remote.s32 $0x1  }
0xca: {  	_ =	sfence.sel $0xFFFF  }
0xcb: {  	[dreg:$0x0] =	wrdreg $0xFFFFFFFF;
	(pc) =	sbr.abs _section_cstart, $3  }
0xcc: {  	[dreg:$0x1] =	wrdreg $0xFFFFFFFF  }
0xcd: {  	_ =	task.clear_ibuf [dreg:s13], $0x2FFFF;
	_ =	strace $0x9FFFFFFF  }
0xce: {  	(tm) =	ssettm $0x7FFFFFFF  }
0xcf: {  	_ =	shalt  }
tec
execute0_lowered:
.L_overlay_start_1:
0x0: {  	(tag) =	ssettag $0x1  }
0x1: {  	s7 =	rddreg [dreg:$0x0]  }
0x2: {  	s8 =	rddreg [dreg:$0x1]  }
0x3: {  	s9 =	rddreg [dreg:$0x2]  }
0x4: {  	s0 =	rddreg [dreg:$0x3]  }
0x5: {  	s2 =	rddreg [dreg:$0x4]  }
0x6: {  	s3 =	rddreg [dreg:$0x5]  }
0x7: {  	s4 =	rddreg [dreg:$0x6]  }
0x8: {  	s5 =	rddreg [dreg:$0x7];
	s6 =	srdreg.scid  }
0x9: {  	s1 =	rddreg [dreg:$0x8];
	s11 =	stileid.u32;
	s16 =	simm.s32 $0x3200  }
0xa: {  	s17 =	simm.s32 $0x1;
	s18 =	simm.s32 $0x3;
	s19 =	simm.s32 $0x2  }
0xb: {  	s20 =	simm.s32 $0x40;
	s21 =	simm.s32 $0x4;
	s22 =	simm.s32 $0x0  }
0xc: {  	s10 =	sand.u32 $0x1, s6;
	s12 =	sshrl.u32 s11, $0x2;
	s13 =	sshll.u32 s11, $0x8  }
0xd: {  	s6 =	simm.s32 $0x0;
	s30 =	smul.u32 $0xC8, s11;
	p0 =	sne.s32 s11, $0x0  }
0xe: {  	s14 =	sshll.u32 s10, $0x7;
	s12 =	smul.u32 $0xC800, s12;
	[smem:$0x7FF] =	sst s6  }
0xf: {  	s29 =	ssub.s32 $0x2, s10;
	s10 =	smul.u32 $0x64, s10;
	s13 =	sor.u32 s14, s13  }
0x10: {  	s15 =	sshrl.u32 s29, $0x1;
	_ =	strace $0x80000047;
	s13 =	sand.u32 $0x380, s13  }
.Ltmp0:
0x11: {  	s14 =	ssub.s32 s29, s15;
	s12 =	sor.u32 s12, s13;
	(pc) =	sbr.rel .LBB2_1-.Ltmp0, $4  }
0x12: {  	s31 =	sadd.s32 s10, s30;
	s15 =	simm.s32 $0x1900;
	s12 =	sshrl.u32 s12, $0x3  }
0x13: {  	s10 =	smax.u32 s14, $0x1;
	s13 =	simm.s32 $0x80;
	s7 =	sadd.s32 s7, s12  }
0x14: {  	s8 =	sadd.s32 s8, s12;
	s9 =	sadd.s32 s9, s12;
	s12 =	sshll.u32 s31, $0xA  }
0x15: {  	s14 =	simm.s32 $0x400;
	s11 =	sadd.s32 $0xFFFFD000, s12;
	s12 =	sshrl.u32 @!p0 s5, $0x3  }
.LBB2_9:
0x16: {  	_ =	swait.ge [sflag:s21], $0x2000  }
0x17: {  	[sflag:s21] =	ssyncset.done $0x0  }
0x18: {  	[sflag:s21] =	ssyncadd.s32 $0xFFFFE000  }
0x19: {  	_ =	swait.ge [sflag:s21], $0x2000  }
0x1a: {  	[sflag:s21] =	ssyncset.done $0x0  }
0x1b: {  	[sflag:s21] =	ssyncadd.s32 $0xFFFFE000  }
0x1c: {  	_ =	swait.ge [sflag:s21], $0x2000  }
0x1d: {  	[sflag:s21] =	ssyncset.done $0x0  }
0x1e: {  	[sflag:s21] =	ssyncadd.s32 $0xFFFFE000  }
0x1f: {  	_ =	swait.ge [sflag:s21], $0x2000  }
0x20: {  	[sflag:s21] =	ssyncset.done $0x0  }
0x21: {  	[sflag:s21] =	ssyncadd.s32 $0xFFFFE000  }
0x22: {  	_ =	swait.ge [sflag:s21], $0x2000  }
0x23: {  	[sflag:s21] =	ssyncset.done $0x0  }
0x24: {  	[sflag:s21] =	ssyncadd.s32 $0xFFFFE000  }
0x25: {  	_ =	swait.ge [sflag:s21], $0x2000  }
0x26: {  	[sflag:s21] =	ssyncset.done $0x0  }
0x27: {  	[sflag:s21] =	ssyncadd.s32 $0xFFFFE000  }
0x28: {  	_ =	swait.ge [sflag:s21], $0x2000  }
0x29: {  	[sflag:s21] =	ssyncset.done $0x0  }
0x2a: {  	[sflag:s21] =	ssyncadd.s32 $0xFFFFE000  }
0x2b: {  	_ =	swait.ge [sflag:s21], $0x2000  }
0x2c: {  	[sflag:s21] =	ssyncset.done $0x0  }
0x2d: {  	[sflag:s21] =	ssyncadd.s32 $0xFFFFE000  }
0x2e: {  	_ =	swait.ge [sflag:s21], $0x2000  }
0x2f: {  	[sflag:s21] =	ssyncset.done $0x0  }
0x30: {  	[sflag:s21] =	ssyncadd.s32 $0xFFFFE000  }
0x31: {  	_ =	swait.ge [sflag:s21], $0x2000  }
0x32: {  	[sflag:s21] =	ssyncset.done $0x0  }
0x33: {  	[sflag:s21] =	ssyncadd.s32 $0xFFFFE000  }
0x34: {  	_ =	swait.ge [sflag:s21], $0x2000  }
0x35: {  	[sflag:s21] =	ssyncset.done $0x0  }
0x36: {  	s22 =	sadd.s32 $0x1, s22;
	[sflag:s21] =	ssyncadd.s32 $0xFFFFE000  }
0x37: {  	p1 =	sne.s32 s22, s10;
	_ =	swait.ge [sflag:s21], $0x2000  }
.Ltmp1:
0x38: {  	[sflag:s21] =	ssyncset.done $0x0;
	(pc) =	sbr.rel @!p1 .LBB2_10-.Ltmp1, $4  }
0x39: {  	[sflag:s21] =	ssyncadd.s32 $0xFFFFE000  }
0x3a: {  	_ =	swait.ge [sflag:s21], $0x2000  }
0x3b: {  	[sflag:s21] =	ssyncset.done $0x0  }
0x3c: {  	[sflag:s21] =	ssyncadd.s32 $0xFFFFE000  }
.LBB2_1:
0x3d: {  	s23 =	simm.s32 @!p0 $0x1C03  }
0x3e: {  	[spmem:s12], [sflag:s23] =	dma.local @!p0 [hbm:s3], $0x2000  }
0x3f: {  	[tilespmem:s6], [sflag:$0x1] =	stream.strided.gather [hbm4b:s7+s13], $0x1900, s14, s13, $0x38;
	[tilespmem:$0x1FB00] =	vst v63  }
0x40: {  	_ = 	snop  }
0x41: {  	[tilespmem:s15], [sflag:$0x1] =	stream.strided.gather [hbm4b:s8+s13], $0x1900, s14, s13, $0x38;
	[tilespmem:$0x1FB00] =	vst v63  }
0x42: {  	_ = 	snop  }
0x43: {  	[tilespmem:s16], [sflag:$0x1] =	stream.strided.gather [hbm4b:s9+s13], $0x1900, s14, s13, $0x38;
	[tilespmem:$0x1FB00] =	vst v63  }
0x44: {  	_ =	swait.ge [sflag:s17], $0x1900  }
0x45: {  	[sflag:s17] =	ssyncset.done $0x0  }
0x46: {  	[sflag:s17] =	ssyncadd.s32 $0xFFFFE700  }
0x47: {  	_ =	swait.ge [sflag:s17], $0x1900  }
.Ltmp2:
0x48: {  	[sflag:s17] =	ssyncset.done $0x0;
	(pc) =	sbr.rel .LBB2_2-.Ltmp2, $4  }
0x49: {  	[sflag:s17] =	ssyncadd.s32 $0xFFFFE700  }
0x4a: {  	_ =	swait.ge [sflag:s17], $0x1900  }
0x4b: {  	s24 =	smov.u32 s11;
	s25 =	simm.s32 $0x0;
	[sflag:s17] =	ssyncset.done $0x0  }
0x4c: {  	s26 =	simm.s32 $0x0;
	s23 =	simm.s32 $0x1800;
	[sflag:s17] =	ssyncadd.s32 $0xFFFFE700  }
.LBB2_6:
0x4d: {  	s28 =	simm.s32 @!p0 $0x3  }
0x4e: {  	_ =	swait.ge @!p0 [sflag:s28], $0x2000  }
0x4f: {  	[sflag:s28] =	ssyncset.done @!p0 $0x0  }
0x50: {  	[sflag:s28] =	ssyncadd.s32 @!p0 $0xFFFFE000  }
0x51: {  	s28 =	simm.s32 $0x0;
	[bflag:$0x0] =	sbarrier.arrive $0xFFFF  }
.LBB2_7:
0x52: {  	s29 =	smul.u32 $0x4F, s28;
	_ =	sdelay $0x1  }
0x53: {  	s29 =	sshrl.u32 s29, $0xA  }
0x54: {  	s29 =	sand.u32 $0x3F, s29  }
0x55: {  	s29 =	smul.u32 $0xD, s29;
	_ =	sdelay $0x1  }
0x56: {  	s29 =	ssub.s32 s28, s29  }
0x57: {  	_ =	swait.ge [sflag:s19], $0x2000;
	s31 =	sshll.u32 s28, $0x6;
	s29 =	sand.u32 $0xFF, s29  }
0x58: {  	[sflag:s19] =	ssyncset.done $0x0;
	s28 =	sand.u32 $0x3FFFFFC0, s31;
	s29 =	sshll.u32 s29, $0xD  }
0x59: {  	[sflag:s19] =	ssyncadd.s32 $0xFFFFE000;
	s28 =	sadd.s32 $0x3200, s28;
	s29 =	sadd.s32 $0x4B00, s29  }
0x5a: {  	[tilespmem:s29], [sflag:$0x3] =	stream.indirect.gather.add.f32 [spmem:s5], $0x80, s28, s20, $0xb8;
	[tilespmem:$0x1FB00] =	vst v63  }
.LBB2_8:
0x5b: {  	s28 =	sadd.s32 $0xFFFFFFFC, s26  }
0x5c: {  	p2 =	sgt.u32 s28, $0x63  }
0x5d: {  	s29 =	smul.u32 @!p2 $0x4F, s28;
	_ =	sdelay $0x1  }
0x5e: {  	s29 =	sshrl.u32 @!p2 s29, $0xA  }
0x5f: {  	s29 =	sand.u32 @!p2 $0x3F, s29  }
0x60: {  	s29 =	smul.u32 @!p2 $0xD, s29  }
0x61: {  	s30 =	simm.s32 @!p2 $0x1  }
0x62: {  	_ =	swait.ge @!p2 [sflag:s30], $0x2000;
	s28 =	ssub.s32 @!p2 s28, s29  }
0x63: {  	[sflag:s30] =	ssyncset.done @!p2 $0x0;
	s28 =	sand.u32 @!p2 $0xFF, s28  }
0x64: {  	p1 =	sgt.u32 s26, $0x63;
	[sflag:s30] =	ssyncadd.s32 @!p2 $0xFFFFE000;
	s28 =	sshll.u32 @!p2 s28, $0xD  }
0x65: {  	s30 =	smul.u32 @!p1 $0x4F, s26;
	s29 =	simm.s32 @!p2 $0x40;
	s28 =	sadd.s32 @!p2 $0x4B00, s28  }
0x66: {  	[tilespmem:s28], [sflag:$0x2] =	stream.indirect.gather.add.f32 @!p2 [hbm:s2], $0x80, s23, s29, $0xb8;
	[tilespmem:$0x1FB00] =	vst v63  }
0x67: {  	s28 =	sshrl.u32 @!p1 s30, $0xA  }
0x68: {  	s28 =	sand.u32 @!p1 $0x3F, s28  }
0x69: {  	p2 =	slt.u32 @!p1 s26, $0xD;
	s28 =	smul.u32 @!p1 $0xD, s28  }
0x6a: {  	p2 =	por p2, p1  }
0x6b: {  	s29 =	simm.s32 @!p2 $0x4;
	s28 =	ssub.s32 @!p1 s26, s28  }
0x6c: {  	_ =	swait.ge @!p2 [sflag:s29], $0x2000;
	s28 =	sand.u32 @!p1 $0xFF, s28  }
0x6d: {  	[sflag:s29] =	ssyncset.done @!p2 $0x0;
	s26 =	sadd.s32 $0x1, s26;
	s28 =	sshll.u32 @!p1 s28, $0xD  }
0x6e: {  	[sflag:s29] =	ssyncadd.s32 @!p2 $0xFFFFE000;
	s29 =	simm.s32 @!p1 $0x40;
	s28 =	sadd.s32 @!p1 $0x4B00, s28  }
0x6f: {  	[tilespmem:s28], [sflag:$0x1] =	stream.indirect.gather @!p1 [hbm4b:s0+s29], $0x80, s25, s29, $0xb8;
	[tilespmem:$0x1FB00] =	vst v63  }
0x70: {  	p1 =	sne.s32 s26, $0x70  }
.Ltmp3:
0x71: {  	_ = 	snop;
	(pc) =	sbr.rel @!p1 .LBB2_9-.Ltmp3, $2  }
0x72: {  	_ =	sdelay $0x2  }
0x73: {  	s24 =	sadd.s32 $0x400, s24;
	s23 =	sadd.s32 $0x40, s23;
	s25 =	sadd.s32 $0x40, s25  }
.LBB2_2:
0x74: {  	p1 =	slt.u32 s26, $0xC  }
.Ltmp4:
0x75: {  	_ = 	snop;
	(pc) =	sbr.rel @p1 .LBB2_5-.Ltmp4, $1  }
0x76: {  	_ =	sdelay $0x3  }
0x77: {  	s28 =	sadd.s32 $0xFFFFFFF4, s26  }
0x78: {  	s29 =	sand.u32 $0xFF, s28  }
0x79: {  	s29 =	smul.u32 $0x4F, s29;
	_ =	sdelay $0x1  }
0x7a: {  	s29 =	sshrl.u32 s29, $0xA  }
0x7b: {  	s29 =	smul.u32 $0xD, s29;
	_ =	sdelay $0x1  }
.Ltmp5:
0x7c: {  	s28 =	ssub.s32 s28, s29;
	(pc) =	sbr.rel .LBB2_4-.Ltmp5, $4  }
0x7d: {  	_ =	swait.ge [sflag:s18], $0x2000;
	s28 =	sand.u32 $0xFF, s28  }
0x7e: {  	s31 =	sand.u32 $0x1FFFFC00, s24;
	[sflag:s18] =	ssyncset.done $0x0;
	s28 =	sshll.u32 s28, $0xD  }
0x7f: {  	[sflag:s18] =	ssyncadd.s32 $0xFFFFE000;
	s29 =	sadd.s32 s4, s31;
	s28 =	sadd.s32 $0x4B00, s28  }
0x80: {  	[hbm4b:s29+s6] =	stream.linear.scatter [tilespmem:s28], [sflag:$0x4], $0x2000, $0x38;
	[tilespmem:$0x1FB00] =	vst v63  }
.LBB2_5:
0x81: {  	p1 =	sne.s32 s26, $0x8  }
.Ltmp6:
0x82: {  	_ = 	snop;
	(pc) =	sbr.rel @!p1 .LBB2_6-.Ltmp6, $1  }
0x83: {  	_ =	sdelay $0x3  }
.LBB2_4:
0x84: {  	s28 =	sadd.s32 $0xFFFFFFF8, s26  }
0x85: {  	p1 =	sgt.u32 s28, $0x63  }
.Ltmp7:
0x86: {  	_ = 	snop;
	(pc) =	sbr.rel @p1 .LBB2_8-.Ltmp7, $4  }
.Ltmp8:
0x87: {  	_ = 	snop;
	(pc) =	sbr.rel @!p1 .LBB2_7-.Ltmp8, $4  }
0x88: {  	_ = 	snop  }
0x89: {  	_ = 	snop  }
0x8a: {  	_ = 	snop  }
0x8b: {  	_ = 	snop  }
.LBB2_10:
0x8c: {  	_ =	sfence.sel $0x180000  }
0x8d: {  	[bflag:$0x0] =	sbarrier.arrive $0xFFFF  }
0x8e: {  	_ =	strace $0x90000047  }
0x8f: {  	s0 =	sadd.s32 @!p0 $0x100000, s1;
	[bflag:$0x2] =	sbarrier.arrive $0xFFFF  }
0x90: {  	[sflag:s0] =	ssyncadd.tile.s32 @!p0 $0x1;
	_ =	shalt  }
.Lfunc_end2:
_tile_overlayer_lowered:
.L_overlay_start_2:
0x91: {  	(tag) =	ssettag $0x2  }
0x92: {  	s0 =	rddreg [dreg:$0x0];
	s2 =	stileid.u32  }
0x93: {  	s1 =	rddreg [dreg:$0x1];
	p0 =	sne.s32 s2, $0x0  }
0x94: {  	s3 =	rddreg [dreg:$0x2];
	[bflag:$0x3] =	sbarrier.arrive $0xFFFF;
	s2 =	simm.s32 @!p0 $0x1C05  }
0x95: {  	[timem:s3], [sflag:s2] =	dma.local @!p0 [hbm:s0], s1  }
0x96: {  	s0 =	simm.s32 @!p0 $0x5  }
0x97: {  	_ =	swait.ge @!p0 [sflag:s0], s1  }
0x98: {  	s1 =	ssub.s32 @!p0 $0x0, s1;
	[sflag:s0] =	ssyncset.done @!p0 $0x0  }
0x99: {  	[sflag:s0] =	ssyncadd.s32 @!p0 s1  }
0x9a: {  	[bflag:$0x3] =	sbarrier.arrive $0xFFFF  }
0x9b: {  	_ =	shalt  }

</sc_bundles>
